<compile_context>
chip_gen: v7x
topology: tpu7x:2x2x1
jax: 0.10.2.dev20260603
libtpu: 0.0.44.dev20260713+nightly
codegen_flags: <defaults>
</compile_context>

<pallas_src>
import functools

import jax
import jax.numpy as jnp
from jax import lax
from jax.experimental import pallas as pl
from jax.experimental.pallas import tpu as pltpu
from jax.experimental.pallas import tpu_sc as plsc

VOCAB = 1000000
EMB = 16
BATCH = 16384
HIST = 200
B = BATCH * HIST

NC = 2
NS = 16
NW = NC * NS
CHUNK = 1024
PAIR = 2 * CHUNK
PPH = BATCH // PAIR
NPAIR = HIST * PPH
PPW = NPAIR // NW
NBODY = PPW // 2

_mesh = plsc.VectorSubcoreMesh(core_axis_name="c", subcore_axis_name="s")


@functools.partial(
    pl.kernel,
    mesh=_mesh,
    compiler_params=pltpu.CompilerParams(use_tc_tiling_on_sc=False,
                                         needs_layout_passes=False),
    out_type=jax.ShapeDtypeStruct((B * EMB,), jnp.float32),
    scratch_types=[
        pltpu.VMEM((2, CHUNK), jnp.int32),
        pltpu.VMEM((2, CHUNK), jnp.int32),
        pltpu.VMEM((CHUNK, EMB), jnp.float32),
        pltpu.VMEM((CHUNK, EMB), jnp.float32),
        pltpu.VMEM((PAIR * EMB,), jnp.float32),
        pltpu.VMEM((PAIR * EMB,), jnp.float32),
        pltpu.SemaphoreType.DMA,
        pltpu.SemaphoreType.DMA,
        pltpu.SemaphoreType.DMA,
        pltpu.SemaphoreType.DMA,
        pltpu.SemaphoreType.DMA,
        pltpu.SemaphoreType.DMA,
    ],
)
def _gather(idx_hbm, table_hbm, out_hbm,
            idx0, idx1, rowsa, rowsb, tbuf0, tbuf1,
            sga, sgb, sw0, sw1, si0, si1):
    wid = lax.axis_index("s") * NC + lax.axis_index("c")
    qbase = wid * PPW

    lane = lax.iota(jnp.int32, 16)
    cols = [(lane + d0) & 15 for d0 in range(16)]
    dsts = [((c >> 3) << 14) + ((c & 7) << 7) + lane for c in cols]

    def idx_row(q):
        return 2 * q

    def out_off(q):
        return (q // PPH) * (2 * 128 * 1024) + (q % PPH) * (16 * 1024)

    def transpose(rows, tbuf, half):
        def c0_body(blk, carry):
            c0 = blk * 16
            row0 = lane + c0
            ds = half * 8192 + ((c0 >> 7) << 10) + (c0 & 127)
            vs = [plsc.load_gather(rows, [row0, cols[d0]])
                  for d0 in range(16)]
            for d0 in range(16):
                plsc.store_scatter(tbuf, [dsts[d0] + ds], vs[d0])
            return carry
        lax.fori_loop(0, CHUNK // 16, c0_body, 0)

    def fire_idx(q, idxp, si):
        pltpu.async_copy(idx_hbm.at[pl.ds(idx_row(q), 2), :], idxp, si)

    def drain_idx(q, idxp, si):
        pltpu.make_async_copy(idx_hbm.at[pl.ds(idx_row(q), 2), :],
                              idxp, si).wait()

    def fire_gather(idxp, half, rows, sg):
        pltpu.async_copy(table_hbm.at[idxp.at[half]], rows, sg)

    def wait_gather(idxp, half, rows, sg):
        pltpu.make_async_copy(table_hbm.at[idxp.at[half]], rows, sg).wait()

    def store(q, tbuf, sw):
        o = out_off(q)
        pltpu.async_copy(tbuf.at[pl.ds(0, 16384)],
                         out_hbm.at[pl.ds(o, 16384)], sw)
        pltpu.async_copy(tbuf.at[pl.ds(16384, 16384)],
                         out_hbm.at[pl.ds(o + 128 * 1024, 16384)], sw)

    def drain_store(q, tbuf, sw):
        o = out_off(q)
        pltpu.make_async_copy(tbuf.at[pl.ds(0, 16384)],
                              out_hbm.at[pl.ds(o, 16384)], sw).wait()
        pltpu.make_async_copy(tbuf.at[pl.ds(16384, 16384)],
                              out_hbm.at[pl.ds(o + 128 * 1024, 16384)], sw).wait()

    fire_idx(qbase + 0, idx0, si0)
    fire_idx(qbase + 1, idx1, si1)
    drain_idx(qbase + 0, idx0, si0)
    fire_gather(idx0, 0, rowsa, sga)
    fire_gather(idx0, 1, rowsb, sgb)

    def body(g, carry):
        q0 = qbase + 2 * g
        q1 = q0 + 1

        wait_gather(idx0, 0, rowsa, sga)

        @pl.when(g > 0)
        def _():
            drain_store(q0, tbuf0, sw0)

        transpose(rowsa, tbuf0, 0)
        drain_idx(q1, idx1, si1)
        fire_gather(idx1, 0, rowsa, sga)

        wait_gather(idx0, 1, rowsb, sgb)
        transpose(rowsb, tbuf0, 1)
        fire_gather(idx1, 1, rowsb, sgb)
        store(q0, tbuf0, sw0)

        @pl.when(g < NBODY - 1)
        def _():
            fire_idx(q0 + 2, idx0, si0)

        wait_gather(idx1, 0, rowsa, sga)

        @pl.when(g > 0)
        def _():
            drain_store(q1, tbuf1, sw1)

        transpose(rowsa, tbuf1, 0)

        @pl.when(g < NBODY - 1)
        def _():
            drain_idx(q0 + 2, idx0, si0)
            fire_gather(idx0, 0, rowsa, sga)

        wait_gather(idx1, 1, rowsb, sgb)
        transpose(rowsb, tbuf1, 1)

        @pl.when(g < NBODY - 1)
        def _():
            fire_gather(idx0, 1, rowsb, sgb)
            fire_idx(q1 + 2, idx1, si1)

        store(q1, tbuf1, sw1)
        return carry

    lax.fori_loop(0, NBODY, body, 0)
    drain_store(qbase, tbuf0, sw0)
    drain_store(qbase + 1, tbuf1, sw1)


def kernel(x, table):
    flat_idx = x.T.reshape(B // CHUNK, CHUNK)
    out = _gather(flat_idx, table)
    out5 = out.reshape(HIST, 2, 128, 8, 128)
    return out5.transpose((2, 4, 0, 1, 3)).reshape(BATCH, HIST, EMB)

# --- scband reference (transcript-rebuilt; emitter-appended) ---
"""Pipeline reference for scband-model-50903952392496 (READ-ONLY COPY).

The authoritative reference and input builder live on the scoring server;
editing this copy changes nothing except your own understanding.
"""

import jax, jax.numpy as jnp
import numpy as np

VOCAB = 1000000
EMB_DIM = 16
BATCH = 16384
HIST = 200

def setup_inputs(seed: int = 0) -> dict:
    key = jax.random.key(seed)
    k_idx, k_tab = jax.random.split(key)
    x = jax.random.randint(k_idx, (BATCH, HIST), 0, VOCAB, dtype=jnp.int64 if jax.config.jax_enable_x64 else jnp.int32).astype(jnp.int32)
    table = jax.random.normal(k_tab, (VOCAB, EMB_DIM), dtype=jnp.float32)
    return {"x": x, "table": table}

def reference(x, table):
    # nn.Embedding forward: gather rows of the table by index
    return jnp.take(table, x, axis=0)

if __name__ == "__main__":
    import jax
    _d = setup_inputs()
    print(jax.jit(kernel)(*tuple(_d.values())))

</pallas_src>

<mosaic_0001>
#map = affine_map<(d0, d1) -> (0, 0)>
#map1 = affine_map<(d0, d1) -> (0)>
module attributes {stable_mosaic.version = 14 : i64} {
  func.func @_gather(%arg0: i32, %arg1: i32, %arg2: memref<3200x1024xi32, #tpu.memory_space<hbm>>, %arg3: memref<1000000x16xf32, #tpu.memory_space<hbm>>, %arg4: memref<52428800xf32, #tpu.memory_space<hbm>>, %arg5: memref<2x1024xi32, #tpu.memory_space<vmem>>, %arg6: memref<2x1024xi32, #tpu.memory_space<vmem>>, %arg7: memref<1024x16xf32, #tpu.memory_space<vmem>>, %arg8: memref<1024x16xf32, #tpu.memory_space<vmem>>, %arg9: memref<32768xf32, #tpu.memory_space<vmem>>, %arg10: memref<32768xf32, #tpu.memory_space<vmem>>, %arg11: memref<!tpu.dma_semaphore, #tpu.memory_space<semaphore_mem>>, %arg12: memref<!tpu.dma_semaphore, #tpu.memory_space<semaphore_mem>>, %arg13: memref<!tpu.dma_semaphore, #tpu.memory_space<semaphore_mem>>, %arg14: memref<!tpu.dma_semaphore, #tpu.memory_space<semaphore_mem>>, %arg15: memref<!tpu.dma_semaphore, #tpu.memory_space<semaphore_mem>>, %arg16: memref<!tpu.dma_semaphore, #tpu.memory_space<semaphore_mem>>) attributes {dimension_semantics = [#tpu.dimension_semantics<core_parallel>, #tpu.dimension_semantics<subcore_parallel>], iteration_bounds = array<i64: 2, 16>, scalar_prefetch = 0 : i64, scratch_operands = 12 : i64, tpu.core_type = #tpu.core_type<sc_vector_subcore>, window_params = [{transform_indices = #map}, {transform_indices = #map}, {transform_indices = #map1}]} {
    %mul3A = arith.constant 2 : i32
    %mul3A_0 = arith.muli %arg1, %mul3A : i32
    %add3A = arith.addi %mul3A_0, %arg0 : i32
    %mul3A_1 = arith.constant 50 : i32
    %mul3A_2 = arith.muli %add3A, %mul3A_1 : i32
    %iota3A = tpu.iota {dimensions = array<i32: 0>} : vector<16xi32>
    %add3A_3 = arith.constant 0 : i32
    %add3A_4 = vector.broadcast %add3A_3 : i32 to vector<16xi32>
    %add3A_5 = arith.addi %iota3A, %add3A_4 : vector<16xi32>
    %and3A = arith.constant 15 : i32
    %and3A_6 = vector.broadcast %and3A : i32 to vector<16xi32>
    %and3A_7 = arith.andi %add3A_5, %and3A_6 : vector<16xi32>
    %add3A_8 = arith.constant 1 : i32
    %add3A_9 = vector.broadcast %add3A_8 : i32 to vector<16xi32>
    %add3A_10 = arith.addi %iota3A, %add3A_9 : vector<16xi32>
    %and3A_11 = arith.constant 15 : i32
    %and3A_12 = vector.broadcast %and3A_11 : i32 to vector<16xi32>
    %and3A_13 = arith.andi %add3A_10, %and3A_12 : vector<16xi32>
    %add3A_14 = arith.constant 2 : i32
    %add3A_15 = vector.broadcast %add3A_14 : i32 to vector<16xi32>
    %add3A_16 = arith.addi %iota3A, %add3A_15 : vector<16xi32>
    %and3A_17 = arith.constant 15 : i32
    %and3A_18 = vector.broadcast %and3A_17 : i32 to vector<16xi32>
    %and3A_19 = arith.andi %add3A_16, %and3A_18 : vector<16xi32>
    %add3A_20 = arith.constant 3 : i32
    %add3A_21 = vector.broadcast %add3A_20 : i32 to vector<16xi32>
    %add3A_22 = arith.addi %iota3A, %add3A_21 : vector<16xi32>
    %and3A_23 = arith.constant 15 : i32
    %and3A_24 = vector.broadcast %and3A_23 : i32 to vector<16xi32>
    %and3A_25 = arith.andi %add3A_22, %and3A_24 : vector<16xi32>
    %add3A_26 = arith.constant 4 : i32
    %add3A_27 = vector.broadcast %add3A_26 : i32 to vector<16xi32>
    %add3A_28 = arith.addi %iota3A, %add3A_27 : vector<16xi32>
    %and3A_29 = arith.constant 15 : i32
    %and3A_30 = vector.broadcast %and3A_29 : i32 to vector<16xi32>
    %and3A_31 = arith.andi %add3A_28, %and3A_30 : vector<16xi32>
    %add3A_32 = arith.constant 5 : i32
    %add3A_33 = vector.broadcast %add3A_32 : i32 to vector<16xi32>
    %add3A_34 = arith.addi %iota3A, %add3A_33 : vector<16xi32>
    %and3A_35 = arith.constant 15 : i32
    %and3A_36 = vector.broadcast %and3A_35 : i32 to vector<16xi32>
    %and3A_37 = arith.andi %add3A_34, %and3A_36 : vector<16xi32>
    %add3A_38 = arith.constant 6 : i32
    %add3A_39 = vector.broadcast %add3A_38 : i32 to vector<16xi32>
    %add3A_40 = arith.addi %iota3A, %add3A_39 : vector<16xi32>
    %and3A_41 = arith.constant 15 : i32
    %and3A_42 = vector.broadcast %and3A_41 : i32 to vector<16xi32>
    %and3A_43 = arith.andi %add3A_40, %and3A_42 : vector<16xi32>
    %add3A_44 = arith.constant 7 : i32
    %add3A_45 = vector.broadcast %add3A_44 : i32 to vector<16xi32>
    %add3A_46 = arith.addi %iota3A, %add3A_45 : vector<16xi32>
    %and3A_47 = arith.constant 15 : i32
    %and3A_48 = vector.broadcast %and3A_47 : i32 to vector<16xi32>
    %and3A_49 = arith.andi %add3A_46, %and3A_48 : vector<16xi32>
    %add3A_50 = arith.constant 8 : i32
    %add3A_51 = vector.broadcast %add3A_50 : i32 to vector<16xi32>
    %add3A_52 = arith.addi %iota3A, %add3A_51 : vector<16xi32>
    %and3A_53 = arith.constant 15 : i32
    %and3A_54 = vector.broadcast %and3A_53 : i32 to vector<16xi32>
    %and3A_55 = arith.andi %add3A_52, %and3A_54 : vector<16xi32>
    %add3A_56 = arith.constant 9 : i32
    %add3A_57 = vector.broadcast %add3A_56 : i32 to vector<16xi32>
    %add3A_58 = arith.addi %iota3A, %add3A_57 : vector<16xi32>
    %and3A_59 = arith.constant 15 : i32
    %and3A_60 = vector.broadcast %and3A_59 : i32 to vector<16xi32>
    %and3A_61 = arith.andi %add3A_58, %and3A_60 : vector<16xi32>
    %add3A_62 = arith.constant 10 : i32
    %add3A_63 = vector.broadcast %add3A_62 : i32 to vector<16xi32>
    %add3A_64 = arith.addi %iota3A, %add3A_63 : vector<16xi32>
    %and3A_65 = arith.constant 15 : i32
    %and3A_66 = vector.broadcast %and3A_65 : i32 to vector<16xi32>
    %and3A_67 = arith.andi %add3A_64, %and3A_66 : vector<16xi32>
    %add3A_68 = arith.constant 11 : i32
    %add3A_69 = vector.broadcast %add3A_68 : i32 to vector<16xi32>
    %add3A_70 = arith.addi %iota3A, %add3A_69 : vector<16xi32>
    %and3A_71 = arith.constant 15 : i32
    %and3A_72 = vector.broadcast %and3A_71 : i32 to vector<16xi32>
    %and3A_73 = arith.andi %add3A_70, %and3A_72 : vector<16xi32>
    %add3A_74 = arith.constant 12 : i32
    %add3A_75 = vector.broadcast %add3A_74 : i32 to vector<16xi32>
    %add3A_76 = arith.addi %iota3A, %add3A_75 : vector<16xi32>
    %and3A_77 = arith.constant 15 : i32
    %and3A_78 = vector.broadcast %and3A_77 : i32 to vector<16xi32>
    %and3A_79 = arith.andi %add3A_76, %and3A_78 : vector<16xi32>
    %add3A_80 = arith.constant 13 : i32
    %add3A_81 = vector.broadcast %add3A_80 : i32 to vector<16xi32>
    %add3A_82 = arith.addi %iota3A, %add3A_81 : vector<16xi32>
    %and3A_83 = arith.constant 15 : i32
    %and3A_84 = vector.broadcast %and3A_83 : i32 to vector<16xi32>
    %and3A_85 = arith.andi %add3A_82, %and3A_84 : vector<16xi32>
    %add3A_86 = arith.constant 14 : i32
    %add3A_87 = vector.broadcast %add3A_86 : i32 to vector<16xi32>
    %add3A_88 = arith.addi %iota3A, %add3A_87 : vector<16xi32>
    %and3A_89 = arith.constant 15 : i32
    %and3A_90 = vector.broadcast %and3A_89 : i32 to vector<16xi32>
    %and3A_91 = arith.andi %add3A_88, %and3A_90 : vector<16xi32>
    %add3A_92 = arith.constant 15 : i32
    %add3A_93 = vector.broadcast %add3A_92 : i32 to vector<16xi32>
    %add3A_94 = arith.addi %iota3A, %add3A_93 : vector<16xi32>
    %and3A_95 = arith.constant 15 : i32
    %and3A_96 = vector.broadcast %and3A_95 : i32 to vector<16xi32>
    %and3A_97 = arith.andi %add3A_94, %and3A_96 : vector<16xi32>
    %shift_right_arithmetic3A = arith.constant 3 : i32
    %shift_right_arithmetic3A_98 = vector.broadcast %shift_right_arithmetic3A : i32 to vector<16xi32>
    %shift_right_arithmetic3A_99 = arith.shrsi %and3A_7, %shift_right_arithmetic3A_98 : vector<16xi32>
    %shift_left3A = arith.constant 14 : i32
    %shift_left3A_100 = vector.broadcast %shift_left3A : i32 to vector<16xi32>
    %shift_left3A_101 = arith.shli %shift_right_arithmetic3A_99, %shift_left3A_100 : vector<16xi32>
    %and3A_102 = arith.constant 7 : i32
    %and3A_103 = vector.broadcast %and3A_102 : i32 to vector<16xi32>
    %and3A_104 = arith.andi %and3A_7, %and3A_103 : vector<16xi32>
    %shift_left3A_105 = arith.constant 7 : i32
    %shift_left3A_106 = vector.broadcast %shift_left3A_105 : i32 to vector<16xi32>
    %shift_left3A_107 = arith.shli %and3A_104, %shift_left3A_106 : vector<16xi32>
    %add3A_108 = arith.addi %shift_left3A_101, %shift_left3A_107 : vector<16xi32>
    %add3A_109 = arith.addi %add3A_108, %iota3A : vector<16xi32>
    %shift_right_arithmetic3A_110 = arith.constant 3 : i32
    %shift_right_arithmetic3A_111 = vector.broadcast %shift_right_arithmetic3A_110 : i32 to vector<16xi32>
    %shift_right_arithmetic3A_112 = arith.shrsi %and3A_13, %shift_right_arithmetic3A_111 : vector<16xi32>
    %shift_left3A_113 = arith.constant 14 : i32
    %shift_left3A_114 = vector.broadcast %shift_left3A_113 : i32 to vector<16xi32>
    %shift_left3A_115 = arith.shli %shift_right_arithmetic3A_112, %shift_left3A_114 : vector<16xi32>
    %and3A_116 = arith.constant 7 : i32
    %and3A_117 = vector.broadcast %and3A_116 : i32 to vector<16xi32>
    %and3A_118 = arith.andi %and3A_13, %and3A_117 : vector<16xi32>
    %shift_left3A_119 = arith.constant 7 : i32
    %shift_left3A_120 = vector.broadcast %shift_left3A_119 : i32 to vector<16xi32>
    %shift_left3A_121 = arith.shli %and3A_118, %shift_left3A_120 : vector<16xi32>
    %add3A_122 = arith.addi %shift_left3A_115, %shift_left3A_121 : vector<16xi32>
    %add3A_123 = arith.addi %add3A_122, %iota3A : vector<16xi32>
    %shift_right_arithmetic3A_124 = arith.constant 3 : i32
    %shift_right_arithmetic3A_125 = vector.broadcast %shift_right_arithmetic3A_124 : i32 to vector<16xi32>
    %shift_right_arithmetic3A_126 = arith.shrsi %and3A_19, %shift_right_arithmetic3A_125 : vector<16xi32>
    %shift_left3A_127 = arith.constant 14 : i32
    %shift_left3A_128 = vector.broadcast %shift_left3A_127 : i32 to vector<16xi32>
    %shift_left3A_129 = arith.shli %shift_right_arithmetic3A_126, %shift_left3A_128 : vector<16xi32>
    %and3A_130 = arith.constant 7 : i32
    %and3A_131 = vector.broadcast %and3A_130 : i32 to vector<16xi32>
    %and3A_132 = arith.andi %and3A_19, %and3A_131 : vector<16xi32>
    %shift_left3A_133 = arith.constant 7 : i32
    %shift_left3A_134 = vector.broadcast %shift_left3A_133 : i32 to vector<16xi32>
    %shift_left3A_135 = arith.shli %and3A_132, %shift_left3A_134 : vector<16xi32>
    %add3A_136 = arith.addi %shift_left3A_129, %shift_left3A_135 : vector<16xi32>
    %add3A_137 = arith.addi %add3A_136, %iota3A : vector<16xi32>
    %shift_right_arithmetic3A_138 = arith.constant 3 : i32
    %shift_right_arithmetic3A_139 = vector.broadcast %shift_right_arithmetic3A_138 : i32 to vector<16xi32>
    %shift_right_arithmetic3A_140 = arith.shrsi %and3A_25, %shift_right_arithmetic3A_139 : vector<16xi32>
    %shift_left3A_141 = arith.constant 14 : i32
    %shift_left3A_142 = vector.broadcast %shift_left3A_141 : i32 to vector<16xi32>
    %shift_left3A_143 = arith.shli %shift_right_arithmetic3A_140, %shift_left3A_142 : vector<16xi32>
    %and3A_144 = arith.constant 7 : i32
    %and3A_145 = vector.broadcast %and3A_144 : i32 to vector<16xi32>
    %and3A_146 = arith.andi %and3A_25, %and3A_145 : vector<16xi32>
    %shift_left3A_147 = arith.constant 7 : i32
    %shift_left3A_148 = vector.broadcast %shift_left3A_147 : i32 to vector<16xi32>
    %shift_left3A_149 = arith.shli %and3A_146, %shift_left3A_148 : vector<16xi32>
    %add3A_150 = arith.addi %shift_left3A_143, %shift_left3A_149 : vector<16xi32>
    %add3A_151 = arith.addi %add3A_150, %iota3A : vector<16xi32>
    %shift_right_arithmetic3A_152 = arith.constant 3 : i32
    %shift_right_arithmetic3A_153 = vector.broadcast %shift_right_arithmetic3A_152 : i32 to vector<16xi32>
    %shift_right_arithmetic3A_154 = arith.shrsi %and3A_31, %shift_right_arithmetic3A_153 : vector<16xi32>
    %shift_left3A_155 = arith.constant 14 : i32
    %shift_left3A_156 = vector.broadcast %shift_left3A_155 : i32 to vector<16xi32>
    %shift_left3A_157 = arith.shli %shift_right_arithmetic3A_154, %shift_left3A_156 : vector<16xi32>
    %and3A_158 = arith.constant 7 : i32
    %and3A_159 = vector.broadcast %and3A_158 : i32 to vector<16xi32>
    %and3A_160 = arith.andi %and3A_31, %and3A_159 : vector<16xi32>
    %shift_left3A_161 = arith.constant 7 : i32
    %shift_left3A_162 = vector.broadcast %shift_left3A_161 : i32 to vector<16xi32>
    %shift_left3A_163 = arith.shli %and3A_160, %shift_left3A_162 : vector<16xi32>
    %add3A_164 = arith.addi %shift_left3A_157, %shift_left3A_163 : vector<16xi32>
    %add3A_165 = arith.addi %add3A_164, %iota3A : vector<16xi32>
    %shift_right_arithmetic3A_166 = arith.constant 3 : i32
    %shift_right_arithmetic3A_167 = vector.broadcast %shift_right_arithmetic3A_166 : i32 to vector<16xi32>
    %shift_right_arithmetic3A_168 = arith.shrsi %and3A_37, %shift_right_arithmetic3A_167 : vector<16xi32>
    %shift_left3A_169 = arith.constant 14 : i32
    %shift_left3A_170 = vector.broadcast %shift_left3A_169 : i32 to vector<16xi32>
    %shift_left3A_171 = arith.shli %shift_right_arithmetic3A_168, %shift_left3A_170 : vector<16xi32>
    %and3A_172 = arith.constant 7 : i32
    %and3A_173 = vector.broadcast %and3A_172 : i32 to vector<16xi32>
    %and3A_174 = arith.andi %and3A_37, %and3A_173 : vector<16xi32>
    %shift_left3A_175 = arith.constant 7 : i32
    %shift_left3A_176 = vector.broadcast %shift_left3A_175 : i32 to vector<16xi32>
    %shift_left3A_177 = arith.shli %and3A_174, %shift_left3A_176 : vector<16xi32>
    %add3A_178 = arith.addi %shift_left3A_171, %shift_left3A_177 : vector<16xi32>
    %add3A_179 = arith.addi %add3A_178, %iota3A : vector<16xi32>
    %shift_right_arithmetic3A_180 = arith.constant 3 : i32
    %shift_right_arithmetic3A_181 = vector.broadcast %shift_right_arithmetic3A_180 : i32 to vector<16xi32>
    %shift_right_arithmetic3A_182 = arith.shrsi %and3A_43, %shift_right_arithmetic3A_181 : vector<16xi32>
    %shift_left3A_183 = arith.constant 14 : i32
    %shift_left3A_184 = vector.broadcast %shift_left3A_183 : i32 to vector<16xi32>
    %shift_left3A_185 = arith.shli %shift_right_arithmetic3A_182, %shift_left3A_184 : vector<16xi32>
    %and3A_186 = arith.constant 7 : i32
    %and3A_187 = vector.broadcast %and3A_186 : i32 to vector<16xi32>
    %and3A_188 = arith.andi %and3A_43, %and3A_187 : vector<16xi32>
    %shift_left3A_189 = arith.constant 7 : i32
    %shift_left3A_190 = vector.broadcast %shift_left3A_189 : i32 to vector<16xi32>
    %shift_left3A_191 = arith.shli %and3A_188, %shift_left3A_190 : vector<16xi32>
    %add3A_192 = arith.addi %shift_left3A_185, %shift_left3A_191 : vector<16xi32>
    %add3A_193 = arith.addi %add3A_192, %iota3A : vector<16xi32>
    %shift_right_arithmetic3A_194 = arith.constant 3 : i32
    %shift_right_arithmetic3A_195 = vector.broadcast %shift_right_arithmetic3A_194 : i32 to vector<16xi32>
    %shift_right_arithmetic3A_196 = arith.shrsi %and3A_49, %shift_right_arithmetic3A_195 : vector<16xi32>
    %shift_left3A_197 = arith.constant 14 : i32
    %shift_left3A_198 = vector.broadcast %shift_left3A_197 : i32 to vector<16xi32>
    %shift_left3A_199 = arith.shli %shift_right_arithmetic3A_196, %shift_left3A_198 : vector<16xi32>
    %and3A_200 = arith.constant 7 : i32
    %and3A_201 = vector.broadcast %and3A_200 : i32 to vector<16xi32>
    %and3A_202 = arith.andi %and3A_49, %and3A_201 : vector<16xi32>
    %shift_left3A_203 = arith.constant 7 : i32
    %shift_left3A_204 = vector.broadcast %shift_left3A_203 : i32 to vector<16xi32>
    %shift_left3A_205 = arith.shli %and3A_202, %shift_left3A_204 : vector<16xi32>
    %add3A_206 = arith.addi %shift_left3A_199, %shift_left3A_205 : vector<16xi32>
    %add3A_207 = arith.addi %add3A_206, %iota3A : vector<16xi32>
    %shift_right_arithmetic3A_208 = arith.constant 3 : i32
    %shift_right_arithmetic3A_209 = vector.broadcast %shift_right_arithmetic3A_208 : i32 to vector<16xi32>
    %shift_right_arithmetic3A_210 = arith.shrsi %and3A_55, %shift_right_arithmetic3A_209 : vector<16xi32>
    %shift_left3A_211 = arith.constant 14 : i32
    %shift_left3A_212 = vector.broadcast %shift_left3A_211 : i32 to vector<16xi32>
    %shift_left3A_213 = arith.shli %shift_right_arithmetic3A_210, %shift_left3A_212 : vector<16xi32>
    %and3A_214 = arith.constant 7 : i32
    %and3A_215 = vector.broadcast %and3A_214 : i32 to vector<16xi32>
    %and3A_216 = arith.andi %and3A_55, %and3A_215 : vector<16xi32>
    %shift_left3A_217 = arith.constant 7 : i32
    %shift_left3A_218 = vector.broadcast %shift_left3A_217 : i32 to vector<16xi32>
    %shift_left3A_219 = arith.shli %and3A_216, %shift_left3A_218 : vector<16xi32>
    %add3A_220 = arith.addi %shift_left3A_213, %shift_left3A_219 : vector<16xi32>
    %add3A_221 = arith.addi %add3A_220, %iota3A : vector<16xi32>
    %shift_right_arithmetic3A_222 = arith.constant 3 : i32
    %shift_right_arithmetic3A_223 = vector.broadcast %shift_right_arithmetic3A_222 : i32 to vector<16xi32>
    %shift_right_arithmetic3A_224 = arith.shrsi %and3A_61, %shift_right_arithmetic3A_223 : vector<16xi32>
    %shift_left3A_225 = arith.constant 14 : i32
    %shift_left3A_226 = vector.broadcast %shift_left3A_225 : i32 to vector<16xi32>
    %shift_left3A_227 = arith.shli %shift_right_arithmetic3A_224, %shift_left3A_226 : vector<16xi32>
    %and3A_228 = arith.constant 7 : i32
    %and3A_229 = vector.broadcast %and3A_228 : i32 to vector<16xi32>
    %and3A_230 = arith.andi %and3A_61, %and3A_229 : vector<16xi32>
    %shift_left3A_231 = arith.constant 7 : i32
    %shift_left3A_232 = vector.broadcast %shift_left3A_231 : i32 to vector<16xi32>
    %shift_left3A_233 = arith.shli %and3A_230, %shift_left3A_232 : vector<16xi32>
    %add3A_234 = arith.addi %shift_left3A_227, %shift_left3A_233 : vector<16xi32>
    %add3A_235 = arith.addi %add3A_234, %iota3A : vector<16xi32>
    %shift_right_arithmetic3A_236 = arith.constant 3 : i32
    %shift_right_arithmetic3A_237 = vector.broadcast %shift_right_arithmetic3A_236 : i32 to vector<16xi32>
    %shift_right_arithmetic3A_238 = arith.shrsi %and3A_67, %shift_right_arithmetic3A_237 : vector<16xi32>
    %shift_left3A_239 = arith.constant 14 : i32
    %shift_left3A_240 = vector.broadcast %shift_left3A_239 : i32 to vector<16xi32>
    %shift_left3A_241 = arith.shli %shift_right_arithmetic3A_238, %shift_left3A_240 : vector<16xi32>
    %and3A_242 = arith.constant 7 : i32
    %and3A_243 = vector.broadcast %and3A_242 : i32 to vector<16xi32>
    %and3A_244 = arith.andi %and3A_67, %and3A_243 : vector<16xi32>
    %shift_left3A_245 = arith.constant 7 : i32
    %shift_left3A_246 = vector.broadcast %shift_left3A_245 : i32 to vector<16xi32>
    %shift_left3A_247 = arith.shli %and3A_244, %shift_left3A_246 : vector<16xi32>
    %add3A_248 = arith.addi %shift_left3A_241, %shift_left3A_247 : vector<16xi32>
    %add3A_249 = arith.addi %add3A_248, %iota3A : vector<16xi32>
    %shift_right_arithmetic3A_250 = arith.constant 3 : i32
    %shift_right_arithmetic3A_251 = vector.broadcast %shift_right_arithmetic3A_250 : i32 to vector<16xi32>
    %shift_right_arithmetic3A_252 = arith.shrsi %and3A_73, %shift_right_arithmetic3A_251 : vector<16xi32>
    %shift_left3A_253 = arith.constant 14 : i32
    %shift_left3A_254 = vector.broadcast %shift_left3A_253 : i32 to vector<16xi32>
    %shift_left3A_255 = arith.shli %shift_right_arithmetic3A_252, %shift_left3A_254 : vector<16xi32>
    %and3A_256 = arith.constant 7 : i32
    %and3A_257 = vector.broadcast %and3A_256 : i32 to vector<16xi32>
    %and3A_258 = arith.andi %and3A_73, %and3A_257 : vector<16xi32>
    %shift_left3A_259 = arith.constant 7 : i32
    %shift_left3A_260 = vector.broadcast %shift_left3A_259 : i32 to vector<16xi32>
    %shift_left3A_261 = arith.shli %and3A_258, %shift_left3A_260 : vector<16xi32>
    %add3A_262 = arith.addi %shift_left3A_255, %shift_left3A_261 : vector<16xi32>
    %add3A_263 = arith.addi %add3A_262, %iota3A : vector<16xi32>
    %shift_right_arithmetic3A_264 = arith.constant 3 : i32
    %shift_right_arithmetic3A_265 = vector.broadcast %shift_right_arithmetic3A_264 : i32 to vector<16xi32>
    %shift_right_arithmetic3A_266 = arith.shrsi %and3A_79, %shift_right_arithmetic3A_265 : vector<16xi32>
    %shift_left3A_267 = arith.constant 14 : i32
    %shift_left3A_268 = vector.broadcast %shift_left3A_267 : i32 to vector<16xi32>
    %shift_left3A_269 = arith.shli %shift_right_arithmetic3A_266, %shift_left3A_268 : vector<16xi32>
    %and3A_270 = arith.constant 7 : i32
    %and3A_271 = vector.broadcast %and3A_270 : i32 to vector<16xi32>
    %and3A_272 = arith.andi %and3A_79, %and3A_271 : vector<16xi32>
    %shift_left3A_273 = arith.constant 7 : i32
    %shift_left3A_274 = vector.broadcast %shift_left3A_273 : i32 to vector<16xi32>
    %shift_left3A_275 = arith.shli %and3A_272, %shift_left3A_274 : vector<16xi32>
    %add3A_276 = arith.addi %shift_left3A_269, %shift_left3A_275 : vector<16xi32>
    %add3A_277 = arith.addi %add3A_276, %iota3A : vector<16xi32>
    %shift_right_arithmetic3A_278 = arith.constant 3 : i32
    %shift_right_arithmetic3A_279 = vector.broadcast %shift_right_arithmetic3A_278 : i32 to vector<16xi32>
    %shift_right_arithmetic3A_280 = arith.shrsi %and3A_85, %shift_right_arithmetic3A_279 : vector<16xi32>
    %shift_left3A_281 = arith.constant 14 : i32
    %shift_left3A_282 = vector.broadcast %shift_left3A_281 : i32 to vector<16xi32>
    %shift_left3A_283 = arith.shli %shift_right_arithmetic3A_280, %shift_left3A_282 : vector<16xi32>
    %and3A_284 = arith.constant 7 : i32
    %and3A_285 = vector.broadcast %and3A_284 : i32 to vector<16xi32>
    %and3A_286 = arith.andi %and3A_85, %and3A_285 : vector<16xi32>
    %shift_left3A_287 = arith.constant 7 : i32
    %shift_left3A_288 = vector.broadcast %shift_left3A_287 : i32 to vector<16xi32>
    %shift_left3A_289 = arith.shli %and3A_286, %shift_left3A_288 : vector<16xi32>
    %add3A_290 = arith.addi %shift_left3A_283, %shift_left3A_289 : vector<16xi32>
    %add3A_291 = arith.addi %add3A_290, %iota3A : vector<16xi32>
    %shift_right_arithmetic3A_292 = arith.constant 3 : i32
    %shift_right_arithmetic3A_293 = vector.broadcast %shift_right_arithmetic3A_292 : i32 to vector<16xi32>
    %shift_right_arithmetic3A_294 = arith.shrsi %and3A_91, %shift_right_arithmetic3A_293 : vector<16xi32>
    %shift_left3A_295 = arith.constant 14 : i32
    %shift_left3A_296 = vector.broadcast %shift_left3A_295 : i32 to vector<16xi32>
    %shift_left3A_297 = arith.shli %shift_right_arithmetic3A_294, %shift_left3A_296 : vector<16xi32>
    %and3A_298 = arith.constant 7 : i32
    %and3A_299 = vector.broadcast %and3A_298 : i32 to vector<16xi32>
    %and3A_300 = arith.andi %and3A_91, %and3A_299 : vector<16xi32>
    %shift_left3A_301 = arith.constant 7 : i32
    %shift_left3A_302 = vector.broadcast %shift_left3A_301 : i32 to vector<16xi32>
    %shift_left3A_303 = arith.shli %and3A_300, %shift_left3A_302 : vector<16xi32>
    %add3A_304 = arith.addi %shift_left3A_297, %shift_left3A_303 : vector<16xi32>
    %add3A_305 = arith.addi %add3A_304, %iota3A : vector<16xi32>
    %shift_right_arithmetic3A_306 = arith.constant 3 : i32
    %shift_right_arithmetic3A_307 = vector.broadcast %shift_right_arithmetic3A_306 : i32 to vector<16xi32>
    %shift_right_arithmetic3A_308 = arith.shrsi %and3A_97, %shift_right_arithmetic3A_307 : vector<16xi32>
    %shift_left3A_309 = arith.constant 14 : i32
    %shift_left3A_310 = vector.broadcast %shift_left3A_309 : i32 to vector<16xi32>
    %shift_left3A_311 = arith.shli %shift_right_arithmetic3A_308, %shift_left3A_310 : vector<16xi32>
    %and3A_312 = arith.constant 7 : i32
    %and3A_313 = vector.broadcast %and3A_312 : i32 to vector<16xi32>
    %and3A_314 = arith.andi %and3A_97, %and3A_313 : vector<16xi32>
    %shift_left3A_315 = arith.constant 7 : i32
    %shift_left3A_316 = vector.broadcast %shift_left3A_315 : i32 to vector<16xi32>
    %shift_left3A_317 = arith.shli %and3A_314, %shift_left3A_316 : vector<16xi32>
    %add3A_318 = arith.addi %shift_left3A_311, %shift_left3A_317 : vector<16xi32>
    %add3A_319 = arith.addi %add3A_318, %iota3A : vector<16xi32>
    %add3A_320 = arith.constant 0 : i32
    %add3A_321 = arith.addi %mul3A_2, %add3A_320 : i32
    %mul3A_322 = arith.constant 2 : i32
    %mul3A_323 = arith.muli %mul3A_322, %add3A_321 : i32
    %dma_start3A = arith.constant 0 : i32
    %dma_start3A_324 = tpu.memref_slice %arg2[%mul3A_323, %dma_start3A] : memref<3200x1024xi32, #tpu.memory_space<hbm>> -> memref<2x1024xi32, #tpu.memory_space<hbm>>
    %dma_start3A_325 = arith.constant 0 : i32
    %dma_start3A_326 = tpu.memref_slice %arg2[%mul3A_323, %dma_start3A_325] : memref<3200x1024xi32, #tpu.memory_space<hbm>> -> memref<2x1024xi32, #tpu.memory_space<hbm>>
    tpu.enqueue_dma source(%dma_start3A_326 : memref<2x1024xi32, #tpu.memory_space<hbm>>) target(%arg5 : memref<2x1024xi32, #tpu.memory_space<vmem>>) target_semaphore(%arg15 : memref<!tpu.dma_semaphore, #tpu.memory_space<semaphore_mem>>)
    %add3A_327 = arith.constant 1 : i32
    %add3A_328 = arith.addi %mul3A_2, %add3A_327 : i32
    %mul3A_329 = arith.constant 2 : i32
    %mul3A_330 = arith.muli %mul3A_329, %add3A_328 : i32
    %dma_start3A_331 = arith.constant 0 : i32
    %dma_start3A_332 = tpu.memref_slice %arg2[%mul3A_330, %dma_start3A_331] : memref<3200x1024xi32, #tpu.memory_space<hbm>> -> memref<2x1024xi32, #tpu.memory_space<hbm>>
    %dma_start3A_333 = arith.constant 0 : i32
    %dma_start3A_334 = tpu.memref_slice %arg2[%mul3A_330, %dma_start3A_333] : memref<3200x1024xi32, #tpu.memory_space<hbm>> -> memref<2x1024xi32, #tpu.memory_space<hbm>>
    tpu.enqueue_dma source(%dma_start3A_334 : memref<2x1024xi32, #tpu.memory_space<hbm>>) target(%arg6 : memref<2x1024xi32, #tpu.memory_space<vmem>>) target_semaphore(%arg16 : memref<!tpu.dma_semaphore, #tpu.memory_space<semaphore_mem>>)
    %add3A_335 = arith.constant 0 : i32
    %add3A_336 = arith.addi %mul3A_2, %add3A_335 : i32
    %mul3A_337 = arith.constant 2 : i32
    %mul3A_338 = arith.muli %mul3A_337, %add3A_336 : i32
    %dma_wait3A = arith.constant 0 : i32
    %dma_wait3A_339 = tpu.memref_slice %arg2[%mul3A_338, %dma_wait3A] : memref<3200x1024xi32, #tpu.memory_space<hbm>> -> memref<2x1024xi32, #tpu.memory_space<hbm>>
    %dma_wait3A_340 = arith.constant 0 : i32
    %dma_wait3A_341 = tpu.memref_slice %arg2[%mul3A_338, %dma_wait3A_340] : memref<3200x1024xi32, #tpu.memory_space<hbm>> -> memref<2x1024xi32, #tpu.memory_space<hbm>>
    tpu.wait_dma2 semaphore(%arg15 : memref<!tpu.dma_semaphore, #tpu.memory_space<semaphore_mem>>) src(%dma_wait3A_341 : memref<2x1024xi32, #tpu.memory_space<hbm>>) dst(%arg5 : memref<2x1024xi32, #tpu.memory_space<vmem>>)
    %dma_start3A_342 = arith.constant 0 : i32
    %dma_start3A_343 = arith.constant 0 : i32
    %dma_start3A_344 = tpu.memref_slice %arg5[%dma_start3A_342, %dma_start3A_343] : memref<2x1024xi32, #tpu.memory_space<vmem>> -> memref<1x1024xi32, #tpu.memory_space<vmem>>
    %dma_start3A_345 = tpu.memref_squeeze %dma_start3A_344 : memref<1x1024xi32, #tpu.memory_space<vmem>> -> memref<1024xi32, #tpu.memory_space<vmem>>
    %dma_start3A_346 = arith.constant 0 : i32
    %dma_start3A_347 = arith.constant 0 : i32
    %dma_start3A_348 = tpu.memref_slice %arg3[%dma_start3A_346, %dma_start3A_347] : memref<1000000x16xf32, #tpu.memory_space<hbm>> -> memref<1000000x16xf32, #tpu.memory_space<hbm>>
    tpu.enqueue_indirect_dma source(%dma_start3A_348 : memref<1000000x16xf32, #tpu.memory_space<hbm>>) target(%arg7 : memref<1024x16xf32, #tpu.memory_space<vmem>>) offsets(%dma_start3A_345 : memref<1024xi32, #tpu.memory_space<vmem>>) semaphore(%arg11 : memref<!tpu.dma_semaphore, #tpu.memory_space<semaphore_mem>>)
    %dma_start3A_349 = arith.constant 1 : i32
    %dma_start3A_350 = arith.constant 0 : i32
    %dma_start3A_351 = tpu.memref_slice %arg5[%dma_start3A_349, %dma_start3A_350] : memref<2x1024xi32, #tpu.memory_space<vmem>> -> memref<1x1024xi32, #tpu.memory_space<vmem>>
    %dma_start3A_352 = tpu.memref_squeeze %dma_start3A_351 : memref<1x1024xi32, #tpu.memory_space<vmem>> -> memref<1024xi32, #tpu.memory_space<vmem>>
    %dma_start3A_353 = arith.constant 0 : i32
    %dma_start3A_354 = arith.constant 0 : i32
    %dma_start3A_355 = tpu.memref_slice %arg3[%dma_start3A_353, %dma_start3A_354] : memref<1000000x16xf32, #tpu.memory_space<hbm>> -> memref<1000000x16xf32, #tpu.memory_space<hbm>>
    tpu.enqueue_indirect_dma source(%dma_start3A_355 : memref<1000000x16xf32, #tpu.memory_space<hbm>>) target(%arg8 : memref<1024x16xf32, #tpu.memory_space<vmem>>) offsets(%dma_start3A_352 : memref<1024xi32, #tpu.memory_space<vmem>>) semaphore(%arg12 : memref<!tpu.dma_semaphore, #tpu.memory_space<semaphore_mem>>)
    %scan3A = arith.constant 0 : i32
    %scan3A_356 = arith.constant 0 : i32
    %scan3A_357 = arith.constant 25 : i32
    %scan3A_358 = arith.addi %scan3A_356, %scan3A_357 : i32
    %scan3A_359 = arith.constant 1 : i32
    scf.for %scan3A_472 = %scan3A_356 to %scan3A_358 step %scan3A_359  : i32 {
      %mul3A_473 = arith.constant 2 : i32
      %mul3A_474 = arith.muli %mul3A_473, %scan3A_472 : i32
      %add3A_475 = arith.addi %mul3A_2, %mul3A_474 : i32
      %add3A_476 = arith.constant 1 : i32
      %add3A_477 = arith.addi %add3A_475, %add3A_476 : i32
      %dma_wait3A_478 = arith.constant 0 : i32
      %dma_wait3A_479 = arith.constant 0 : i32
      %dma_wait3A_480 = tpu.memref_slice %arg5[%dma_wait3A_478, %dma_wait3A_479] : memref<2x1024xi32, #tpu.memory_space<vmem>> -> memref<1x1024xi32, #tpu.memory_space<vmem>>
      %dma_wait3A_481 = tpu.memref_squeeze %dma_wait3A_480 : memref<1x1024xi32, #tpu.memory_space<vmem>> -> memref<1024xi32, #tpu.memory_space<vmem>>
      %dma_wait3A_482 = arith.constant 0 : i32
      %dma_wait3A_483 = arith.constant 0 : i32
      %dma_wait3A_484 = tpu.memref_slice %arg3[%dma_wait3A_482, %dma_wait3A_483] : memref<1000000x16xf32, #tpu.memory_space<hbm>> -> memref<1000000x16xf32, #tpu.memory_space<hbm>>
      tpu.wait_indirect_dma semaphore(%arg11 : memref<!tpu.dma_semaphore, #tpu.memory_space<semaphore_mem>>) src(%dma_wait3A_484 : memref<1000000x16xf32, #tpu.memory_space<hbm>>) dst(%arg7 : memref<1024x16xf32, #tpu.memory_space<vmem>>)
      %gt3A = arith.constant 0 : i32
      %gt3A_485 = arith.cmpi sgt, %scan3A_472, %gt3A : i32
      %convert_element_type3A = arith.extui %gt3A_485 : i1 to i32
      %cond3A = arith.constant 0 : i32
      %cond3A_486 = arith.cmpi ne, %convert_element_type3A, %cond3A : i32
      scf.if %cond3A_486 {
        %jit3A_690 = arith.constant 8 : i32
        %div3A_691 = arith.divsi %add3A_475, %jit3A_690 : i32
        %sign3A_692 = arith.constant 0 : i32
        %sign3A_693 = arith.cmpi sgt, %add3A_475, %sign3A_692 : i32
        %sign3A_694 = arith.extui %sign3A_693 : i1 to i32
        %sign3A_695 = arith.constant 0 : i32
        %sign3A_696 = arith.cmpi slt, %add3A_475, %sign3A_695 : i32
        %sign3A_697 = arith.extui %sign3A_696 : i1 to i32
        %sign3A_698 = arith.subi %sign3A_694, %sign3A_697 : i32
        %sign3A_699 = arith.constant 0 : i32
        %sign3A_700 = arith.cmpi sgt, %jit3A_690, %sign3A_699 : i32
        %sign3A_701 = arith.extui %sign3A_700 : i1 to i32
        %sign3A_702 = arith.constant 0 : i32
        %sign3A_703 = arith.cmpi slt, %jit3A_690, %sign3A_702 : i32
        %sign3A_704 = arith.extui %sign3A_703 : i1 to i32
        %sign3A_705 = arith.subi %sign3A_701, %sign3A_704 : i32
        %ne3A_706 = arith.cmpi ne, %sign3A_698, %sign3A_705 : i32
        %rem3A_707 = arith.remsi %add3A_475, %jit3A_690 : i32
        %ne3A_708 = arith.constant 0 : i32
        %ne3A_709 = arith.cmpi ne, %rem3A_707, %ne3A_708 : i32
        %and3A_710 = arith.andi %ne3A_706, %ne3A_709 : i1
        %sub3A_711 = arith.constant 1 : i32
        %sub3A_712 = arith.subi %div3A_691, %sub3A_711 : i32
        %select_n3A_713 = arith.select %and3A_710, %sub3A_712, %div3A_691 : i32
        %mul3A_714 = arith.constant 262144 : i32
        %mul3A_715 = arith.muli %select_n3A_713, %mul3A_714 : i32
        %jit3A_716 = arith.constant 8 : i32
        %eq3A_717 = arith.constant 0 : i32
        %eq3A_718 = arith.cmpi eq, %jit3A_716, %eq3A_717 : i32
        %jit3A_719 = arith.constant 1 : i32
        %select_n3A_720 = arith.select %eq3A_718, %jit3A_719, %jit3A_716 : i32
        %rem3A_721 = arith.remsi %add3A_475, %select_n3A_720 : i32
        %ne3A_722 = arith.constant 0 : i32
        %ne3A_723 = arith.cmpi ne, %rem3A_721, %ne3A_722 : i32
        %lt3A_724 = arith.constant 0 : i32
        %lt3A_725 = arith.cmpi slt, %rem3A_721, %lt3A_724 : i32
        %lt3A_726 = arith.constant 0 : i32
        %lt3A_727 = arith.cmpi slt, %select_n3A_720, %lt3A_726 : i32
        %ne3A_728 = arith.xori %lt3A_725, %lt3A_727 : i1
        %and3A_729 = arith.andi %ne3A_728, %ne3A_723 : i1
        %add3A_730 = arith.addi %rem3A_721, %select_n3A_720 : i32
        %select_n3A_731 = arith.select %and3A_729, %add3A_730, %rem3A_721 : i32
        %mul3A_732 = arith.constant 16384 : i32
        %mul3A_733 = arith.muli %select_n3A_731, %mul3A_732 : i32
        %add3A_734 = arith.addi %mul3A_715, %mul3A_733 : i32
        %dma_wait3A_735 = arith.constant 0 : i32
        %dma_wait3A_736 = tpu.memref_slice %arg9[%dma_wait3A_735] : memref<32768xf32, #tpu.memory_space<vmem>> -> memref<16384xf32, #tpu.memory_space<vmem>>
        %dma_wait3A_737 = tpu.memref_slice %arg4[%add3A_734] : memref<52428800xf32, #tpu.memory_space<hbm>> -> memref<16384xf32, #tpu.memory_space<hbm>>
        %dma_wait3A_738 = tpu.memref_slice %arg4[%add3A_734] : memref<52428800xf32, #tpu.memory_space<hbm>> -> memref<16384xf32, #tpu.memory_space<hbm>>
        %dma_wait3A_739 = arith.constant 0 : i32
        %dma_wait3A_740 = tpu.memref_slice %arg9[%dma_wait3A_739] : memref<32768xf32, #tpu.memory_space<vmem>> -> memref<16384xf32, #tpu.memory_space<vmem>>
        tpu.wait_dma2 semaphore(%arg13 : memref<!tpu.dma_semaphore, #tpu.memory_space<semaphore_mem>>) src(%dma_wait3A_740 : memref<16384xf32, #tpu.memory_space<vmem>>) dst(%dma_wait3A_738 : memref<16384xf32, #tpu.memory_space<hbm>>)
        %add3A_741 = arith.constant 131072 : i32
        %add3A_742 = arith.addi %add3A_734, %add3A_741 : i32
        %dma_wait3A_743 = arith.constant 16384 : i32
        %dma_wait3A_744 = tpu.memref_slice %arg9[%dma_wait3A_743] : memref<32768xf32, #tpu.memory_space<vmem>> -> memref<16384xf32, #tpu.memory_space<vmem>>
        %dma_wait3A_745 = tpu.memref_slice %arg4[%add3A_742] : memref<52428800xf32, #tpu.memory_space<hbm>> -> memref<16384xf32, #tpu.memory_space<hbm>>
        %dma_wait3A_746 = tpu.memref_slice %arg4[%add3A_742] : memref<52428800xf32, #tpu.memory_space<hbm>> -> memref<16384xf32, #tpu.memory_space<hbm>>
        %dma_wait3A_747 = arith.constant 16384 : i32
        %dma_wait3A_748 = tpu.memref_slice %arg9[%dma_wait3A_747] : memref<32768xf32, #tpu.memory_space<vmem>> -> memref<16384xf32, #tpu.memory_space<vmem>>
        tpu.wait_dma2 semaphore(%arg13 : memref<!tpu.dma_semaphore, #tpu.memory_space<semaphore_mem>>) src(%dma_wait3A_748 : memref<16384xf32, #tpu.memory_space<vmem>>) dst(%dma_wait3A_746 : memref<16384xf32, #tpu.memory_space<hbm>>)
      } else {
      }
      %scan3A_487 = arith.constant 0 : i32
      %scan3A_488 = arith.constant 0 : i32
      %scan3A_489 = arith.constant 64 : i32
      %scan3A_490 = arith.addi %scan3A_488, %scan3A_489 : i32
      %scan3A_491 = arith.constant 1 : i32
      scf.for %scan3A_690 = %scan3A_488 to %scan3A_490 step %scan3A_491  : i32 {
        %mul3A_691 = arith.constant 16 : i32
        %mul3A_692 = arith.muli %scan3A_690, %mul3A_691 : i32
        %add3A_693 = vector.broadcast %mul3A_692 : i32 to vector<16xi32>
        %add3A_694 = arith.addi %iota3A, %add3A_693 : vector<16xi32>
        %shift_right_arithmetic3A_695 = arith.constant 7 : i32
        %shift_right_arithmetic3A_696 = arith.shrsi %mul3A_692, %shift_right_arithmetic3A_695 : i32
        %shift_left3A_697 = arith.constant 10 : i32
        %shift_left3A_698 = arith.shli %shift_right_arithmetic3A_696, %shift_left3A_697 : i32
        %add3A_699 = arith.constant 0 : i32
        %add3A_700 = arith.addi %add3A_699, %shift_left3A_698 : i32
        %and3A_701 = arith.constant 127 : i32
        %and3A_702 = arith.andi %mul3A_692, %and3A_701 : i32
        %add3A_703 = arith.addi %add3A_700, %and3A_702 : i32
        %gather3A = tpu.vector_load_idx %arg7[%add3A_694, %and3A_7] : memref<1024x16xf32, #tpu.memory_space<vmem>>[vector<16xi32>, vector<16xi32>], vector<16xf32>,
        %gather3A_704 = tpu.vector_load_idx %arg7[%add3A_694, %and3A_13] : memref<1024x16xf32, #tpu.memory_space<vmem>>[vector<16xi32>, vector<16xi32>], vector<16xf32>,
        %gather3A_705 = tpu.vector_load_idx %arg7[%add3A_694, %and3A_19] : memref<1024x16xf32, #tpu.memory_space<vmem>>[vector<16xi32>, vector<16xi32>], vector<16xf32>,
        %gather3A_706 = tpu.vector_load_idx %arg7[%add3A_694, %and3A_25] : memref<1024x16xf32, #tpu.memory_space<vmem>>[vector<16xi32>, vector<16xi32>], vector<16xf32>,
        %gather3A_707 = tpu.vector_load_idx %arg7[%add3A_694, %and3A_31] : memref<1024x16xf32, #tpu.memory_space<vmem>>[vector<16xi32>, vector<16xi32>], vector<16xf32>,
        %gather3A_708 = tpu.vector_load_idx %arg7[%add3A_694, %and3A_37] : memref<1024x16xf32, #tpu.memory_space<vmem>>[vector<16xi32>, vector<16xi32>], vector<16xf32>,
        %gather3A_709 = tpu.vector_load_idx %arg7[%add3A_694, %and3A_43] : memref<1024x16xf32, #tpu.memory_space<vmem>>[vector<16xi32>, vector<16xi32>], vector<16xf32>,
        %gather3A_710 = tpu.vector_load_idx %arg7[%add3A_694, %and3A_49] : memref<1024x16xf32, #tpu.memory_space<vmem>>[vector<16xi32>, vector<16xi32>], vector<16xf32>,
        %gather3A_711 = tpu.vector_load_idx %arg7[%add3A_694, %and3A_55] : memref<1024x16xf32, #tpu.memory_space<vmem>>[vector<16xi32>, vector<16xi32>], vector<16xf32>,
        %gather3A_712 = tpu.vector_load_idx %arg7[%add3A_694, %and3A_61] : memref<1024x16xf32, #tpu.memory_space<vmem>>[vector<16xi32>, vector<16xi32>], vector<16xf32>,
        %gather3A_713 = tpu.vector_load_idx %arg7[%add3A_694, %and3A_67] : memref<1024x16xf32, #tpu.memory_space<vmem>>[vector<16xi32>, vector<16xi32>], vector<16xf32>,
        %gather3A_714 = tpu.vector_load_idx %arg7[%add3A_694, %and3A_73] : memref<1024x16xf32, #tpu.memory_space<vmem>>[vector<16xi32>, vector<16xi32>], vector<16xf32>,
        %gather3A_715 = tpu.vector_load_idx %arg7[%add3A_694, %and3A_79] : memref<1024x16xf32, #tpu.memory_space<vmem>>[vector<16xi32>, vector<16xi32>], vector<16xf32>,
        %gather3A_716 = tpu.vector_load_idx %arg7[%add3A_694, %and3A_85] : memref<1024x16xf32, #tpu.memory_space<vmem>>[vector<16xi32>, vector<16xi32>], vector<16xf32>,
        %gather3A_717 = tpu.vector_load_idx %arg7[%add3A_694, %and3A_91] : memref<1024x16xf32, #tpu.memory_space<vmem>>[vector<16xi32>, vector<16xi32>], vector<16xf32>,
        %gather3A_718 = tpu.vector_load_idx %arg7[%add3A_694, %and3A_97] : memref<1024x16xf32, #tpu.memory_space<vmem>>[vector<16xi32>, vector<16xi32>], vector<16xf32>,
        %add3A_719 = vector.broadcast %add3A_703 : i32 to vector<16xi32>
        %add3A_720 = arith.addi %add3A_109, %add3A_719 : vector<16xi32>
        tpu.vector_store_idx %arg9[%add3A_720], %gather3A : memref<32768xf32, #tpu.memory_space<vmem>>[vector<16xi32>], vector<16xf32>,
        %add3A_721 = vector.broadcast %add3A_703 : i32 to vector<16xi32>
        %add3A_722 = arith.addi %add3A_123, %add3A_721 : vector<16xi32>
        tpu.vector_store_idx %arg9[%add3A_722], %gather3A_704 : memref<32768xf32, #tpu.memory_space<vmem>>[vector<16xi32>], vector<16xf32>,
        %add3A_723 = vector.broadcast %add3A_703 : i32 to vector<16xi32>
        %add3A_724 = arith.addi %add3A_137, %add3A_723 : vector<16xi32>
        tpu.vector_store_idx %arg9[%add3A_724], %gather3A_705 : memref<32768xf32, #tpu.memory_space<vmem>>[vector<16xi32>], vector<16xf32>,
        %add3A_725 = vector.broadcast %add3A_703 : i32 to vector<16xi32>
        %add3A_726 = arith.addi %add3A_151, %add3A_725 : vector<16xi32>
        tpu.vector_store_idx %arg9[%add3A_726], %gather3A_706 : memref<32768xf32, #tpu.memory_space<vmem>>[vector<16xi32>], vector<16xf32>,
        %add3A_727 = vector.broadcast %add3A_703 : i32 to vector<16xi32>
        %add3A_728 = arith.addi %add3A_165, %add3A_727 : vector<16xi32>
        tpu.vector_store_idx %arg9[%add3A_728], %gather3A_707 : memref<32768xf32, #tpu.memory_space<vmem>>[vector<16xi32>], vector<16xf32>,
        %add3A_729 = vector.broadcast %add3A_703 : i32 to vector<16xi32>
        %add3A_730 = arith.addi %add3A_179, %add3A_729 : vector<16xi32>
        tpu.vector_store_idx %arg9[%add3A_730], %gather3A_708 : memref<32768xf32, #tpu.memory_space<vmem>>[vector<16xi32>], vector<16xf32>,
        %add3A_731 = vector.broadcast %add3A_703 : i32 to vector<16xi32>
        %add3A_732 = arith.addi %add3A_193, %add3A_731 : vector<16xi32>
        tpu.vector_store_idx %arg9[%add3A_732], %gather3A_709 : memref<32768xf32, #tpu.memory_space<vmem>>[vector<16xi32>], vector<16xf32>,
        %add3A_733 = vector.broadcast %add3A_703 : i32 to vector<16xi32>
        %add3A_734 = arith.addi %add3A_207, %add3A_733 : vector<16xi32>
        tpu.vector_store_idx %arg9[%add3A_734], %gather3A_710 : memref<32768xf32, #tpu.memory_space<vmem>>[vector<16xi32>], vector<16xf32>,
        %add3A_735 = vector.broadcast %add3A_703 : i32 to vector<16xi32>
        %add3A_736 = arith.addi %add3A_221, %add3A_735 : vector<16xi32>
        tpu.vector_store_idx %arg9[%add3A_736], %gather3A_711 : memref<32768xf32, #tpu.memory_space<vmem>>[vector<16xi32>], vector<16xf32>,
        %add3A_737 = vector.broadcast %add3A_703 : i32 to vector<16xi32>
        %add3A_738 = arith.addi %add3A_235, %add3A_737 : vector<16xi32>
        tpu.vector_store_idx %arg9[%add3A_738], %gather3A_712 : memref<32768xf32, #tpu.memory_space<vmem>>[vector<16xi32>], vector<16xf32>,
        %add3A_739 = vector.broadcast %add3A_703 : i32 to vector<16xi32>
        %add3A_740 = arith.addi %add3A_249, %add3A_739 : vector<16xi32>
        tpu.vector_store_idx %arg9[%add3A_740], %gather3A_713 : memref<32768xf32, #tpu.memory_space<vmem>>[vector<16xi32>], vector<16xf32>,
        %add3A_741 = vector.broadcast %add3A_703 : i32 to vector<16xi32>
        %add3A_742 = arith.addi %add3A_263, %add3A_741 : vector<16xi32>
        tpu.vector_store_idx %arg9[%add3A_742], %gather3A_714 : memref<32768xf32, #tpu.memory_space<vmem>>[vector<16xi32>], vector<16xf32>,
        %add3A_743 = vector.broadcast %add3A_703 : i32 to vector<16xi32>
        %add3A_744 = arith.addi %add3A_277, %add3A_743 : vector<16xi32>
        tpu.vector_store_idx %arg9[%add3A_744], %gather3A_715 : memref<32768xf32, #tpu.memory_space<vmem>>[vector<16xi32>], vector<16xf32>,
        %add3A_745 = vector.broadcast %add3A_703 : i32 to vector<16xi32>
        %add3A_746 = arith.addi %add3A_291, %add3A_745 : vector<16xi32>
        tpu.vector_store_idx %arg9[%add3A_746], %gather3A_716 : memref<32768xf32, #tpu.memory_space<vmem>>[vector<16xi32>], vector<16xf32>,
        %add3A_747 = vector.broadcast %add3A_703 : i32 to vector<16xi32>
        %add3A_748 = arith.addi %add3A_305, %add3A_747 : vector<16xi32>
        tpu.vector_store_idx %arg9[%add3A_748], %gather3A_717 : memref<32768xf32, #tpu.memory_space<vmem>>[vector<16xi32>], vector<16xf32>,
        %add3A_749 = vector.broadcast %add3A_703 : i32 to vector<16xi32>
        %add3A_750 = arith.addi %add3A_319, %add3A_749 : vector<16xi32>
        tpu.vector_store_idx %arg9[%add3A_750], %gather3A_718 : memref<32768xf32, #tpu.memory_space<vmem>>[vector<16xi32>], vector<16xf32>,
      }
      %scan3A_492 = arith.constant 64 : i32
      %mul3A_493 = arith.constant 2 : i32
      %mul3A_494 = arith.muli %mul3A_493, %add3A_477 : i32
      %dma_wait3A_495 = arith.constant 0 : i32
      %dma_wait3A_496 = tpu.memref_slice %arg2[%mul3A_494, %dma_wait3A_495] : memref<3200x1024xi32, #tpu.memory_space<hbm>> -> memref<2x1024xi32, #tpu.memory_space<hbm>>
      %dma_wait3A_497 = arith.constant 0 : i32
      %dma_wait3A_498 = tpu.memref_slice %arg2[%mul3A_494, %dma_wait3A_497] : memref<3200x1024xi32, #tpu.memory_space<hbm>> -> memref<2x1024xi32, #tpu.memory_space<hbm>>
      tpu.wait_dma2 semaphore(%arg16 : memref<!tpu.dma_semaphore, #tpu.memory_space<semaphore_mem>>) src(%dma_wait3A_498 : memref<2x1024xi32, #tpu.memory_space<hbm>>) dst(%arg6 : memref<2x1024xi32, #tpu.memory_space<vmem>>)
      %dma_start3A_499 = arith.constant 0 : i32
      %dma_start3A_500 = arith.constant 0 : i32
      %dma_start3A_501 = tpu.memref_slice %arg6[%dma_start3A_499, %dma_start3A_500] : memref<2x1024xi32, #tpu.memory_space<vmem>> -> memref<1x1024xi32, #tpu.memory_space<vmem>>
      %dma_start3A_502 = tpu.memref_squeeze %dma_start3A_501 : memref<1x1024xi32, #tpu.memory_space<vmem>> -> memref<1024xi32, #tpu.memory_space<vmem>>
      %dma_start3A_503 = arith.constant 0 : i32
      %dma_start3A_504 = arith.constant 0 : i32
      %dma_start3A_505 = tpu.memref_slice %arg3[%dma_start3A_503, %dma_start3A_504] : memref<1000000x16xf32, #tpu.memory_space<hbm>> -> memref<1000000x16xf32, #tpu.memory_space<hbm>>
      tpu.enqueue_indirect_dma source(%dma_start3A_505 : memref<1000000x16xf32, #tpu.memory_space<hbm>>) target(%arg7 : memref<1024x16xf32, #tpu.memory_space<vmem>>) offsets(%dma_start3A_502 : memref<1024xi32, #tpu.memory_space<vmem>>) semaphore(%arg11 : memref<!tpu.dma_semaphore, #tpu.memory_space<semaphore_mem>>)
      %dma_wait3A_506 = arith.constant 1 : i32
      %dma_wait3A_507 = arith.constant 0 : i32
      %dma_wait3A_508 = tpu.memref_slice %arg5[%dma_wait3A_506, %dma_wait3A_507] : memref<2x1024xi32, #tpu.memory_space<vmem>> -> memref<1x1024xi32, #tpu.memory_space<vmem>>
      %dma_wait3A_509 = tpu.memref_squeeze %dma_wait3A_508 : memref<1x1024xi32, #tpu.memory_space<vmem>> -> memref<1024xi32, #tpu.memory_space<vmem>>
      %dma_wait3A_510 = arith.constant 0 : i32
      %dma_wait3A_511 = arith.constant 0 : i32
      %dma_wait3A_512 = tpu.memref_slice %arg3[%dma_wait3A_510, %dma_wait3A_511] : memref<1000000x16xf32, #tpu.memory_space<hbm>> -> memref<1000000x16xf32, #tpu.memory_space<hbm>>
      tpu.wait_indirect_dma semaphore(%arg12 : memref<!tpu.dma_semaphore, #tpu.memory_space<semaphore_mem>>) src(%dma_wait3A_512 : memref<1000000x16xf32, #tpu.memory_space<hbm>>) dst(%arg8 : memref<1024x16xf32, #tpu.memory_space<vmem>>)
      %scan3A_513 = arith.constant 0 : i32
      %scan3A_514 = arith.constant 0 : i32
      %scan3A_515 = arith.constant 64 : i32
      %scan3A_516 = arith.addi %scan3A_514, %scan3A_515 : i32
      %scan3A_517 = arith.constant 1 : i32
      scf.for %scan3A_690 = %scan3A_514 to %scan3A_516 step %scan3A_517  : i32 {
        %mul3A_691 = arith.constant 16 : i32
        %mul3A_692 = arith.muli %scan3A_690, %mul3A_691 : i32
        %add3A_693 = vector.broadcast %mul3A_692 : i32 to vector<16xi32>
        %add3A_694 = arith.addi %iota3A, %add3A_693 : vector<16xi32>
        %shift_right_arithmetic3A_695 = arith.constant 7 : i32
        %shift_right_arithmetic3A_696 = arith.shrsi %mul3A_692, %shift_right_arithmetic3A_695 : i32
        %shift_left3A_697 = arith.constant 10 : i32
        %shift_left3A_698 = arith.shli %shift_right_arithmetic3A_696, %shift_left3A_697 : i32
        %add3A_699 = arith.constant 8192 : i32
        %add3A_700 = arith.addi %add3A_699, %shift_left3A_698 : i32
        %and3A_701 = arith.constant 127 : i32
        %and3A_702 = arith.andi %mul3A_692, %and3A_701 : i32
        %add3A_703 = arith.addi %add3A_700, %and3A_702 : i32
        %gather3A = tpu.vector_load_idx %arg8[%add3A_694, %and3A_7] : memref<1024x16xf32, #tpu.memory_space<vmem>>[vector<16xi32>, vector<16xi32>], vector<16xf32>,
        %gather3A_704 = tpu.vector_load_idx %arg8[%add3A_694, %and3A_13] : memref<1024x16xf32, #tpu.memory_space<vmem>>[vector<16xi32>, vector<16xi32>], vector<16xf32>,
        %gather3A_705 = tpu.vector_load_idx %arg8[%add3A_694, %and3A_19] : memref<1024x16xf32, #tpu.memory_space<vmem>>[vector<16xi32>, vector<16xi32>], vector<16xf32>,
        %gather3A_706 = tpu.vector_load_idx %arg8[%add3A_694, %and3A_25] : memref<1024x16xf32, #tpu.memory_space<vmem>>[vector<16xi32>, vector<16xi32>], vector<16xf32>,
        %gather3A_707 = tpu.vector_load_idx %arg8[%add3A_694, %and3A_31] : memref<1024x16xf32, #tpu.memory_space<vmem>>[vector<16xi32>, vector<16xi32>], vector<16xf32>,
        %gather3A_708 = tpu.vector_load_idx %arg8[%add3A_694, %and3A_37] : memref<1024x16xf32, #tpu.memory_space<vmem>>[vector<16xi32>, vector<16xi32>], vector<16xf32>,
        %gather3A_709 = tpu.vector_load_idx %arg8[%add3A_694, %and3A_43] : memref<1024x16xf32, #tpu.memory_space<vmem>>[vector<16xi32>, vector<16xi32>], vector<16xf32>,
        %gather3A_710 = tpu.vector_load_idx %arg8[%add3A_694, %and3A_49] : memref<1024x16xf32, #tpu.memory_space<vmem>>[vector<16xi32>, vector<16xi32>], vector<16xf32>,
        %gather3A_711 = tpu.vector_load_idx %arg8[%add3A_694, %and3A_55] : memref<1024x16xf32, #tpu.memory_space<vmem>>[vector<16xi32>, vector<16xi32>], vector<16xf32>,
        %gather3A_712 = tpu.vector_load_idx %arg8[%add3A_694, %and3A_61] : memref<1024x16xf32, #tpu.memory_space<vmem>>[vector<16xi32>, vector<16xi32>], vector<16xf32>,
        %gather3A_713 = tpu.vector_load_idx %arg8[%add3A_694, %and3A_67] : memref<1024x16xf32, #tpu.memory_space<vmem>>[vector<16xi32>, vector<16xi32>], vector<16xf32>,
        %gather3A_714 = tpu.vector_load_idx %arg8[%add3A_694, %and3A_73] : memref<1024x16xf32, #tpu.memory_space<vmem>>[vector<16xi32>, vector<16xi32>], vector<16xf32>,
        %gather3A_715 = tpu.vector_load_idx %arg8[%add3A_694, %and3A_79] : memref<1024x16xf32, #tpu.memory_space<vmem>>[vector<16xi32>, vector<16xi32>], vector<16xf32>,
        %gather3A_716 = tpu.vector_load_idx %arg8[%add3A_694, %and3A_85] : memref<1024x16xf32, #tpu.memory_space<vmem>>[vector<16xi32>, vector<16xi32>], vector<16xf32>,
        %gather3A_717 = tpu.vector_load_idx %arg8[%add3A_694, %and3A_91] : memref<1024x16xf32, #tpu.memory_space<vmem>>[vector<16xi32>, vector<16xi32>], vector<16xf32>,
        %gather3A_718 = tpu.vector_load_idx %arg8[%add3A_694, %and3A_97] : memref<1024x16xf32, #tpu.memory_space<vmem>>[vector<16xi32>, vector<16xi32>], vector<16xf32>,
        %add3A_719 = vector.broadcast %add3A_703 : i32 to vector<16xi32>
        %add3A_720 = arith.addi %add3A_109, %add3A_719 : vector<16xi32>
        tpu.vector_store_idx %arg9[%add3A_720], %gather3A : memref<32768xf32, #tpu.memory_space<vmem>>[vector<16xi32>], vector<16xf32>,
        %add3A_721 = vector.broadcast %add3A_703 : i32 to vector<16xi32>
        %add3A_722 = arith.addi %add3A_123, %add3A_721 : vector<16xi32>
        tpu.vector_store_idx %arg9[%add3A_722], %gather3A_704 : memref<32768xf32, #tpu.memory_space<vmem>>[vector<16xi32>], vector<16xf32>,
        %add3A_723 = vector.broadcast %add3A_703 : i32 to vector<16xi32>
        %add3A_724 = arith.addi %add3A_137, %add3A_723 : vector<16xi32>
        tpu.vector_store_idx %arg9[%add3A_724], %gather3A_705 : memref<32768xf32, #tpu.memory_space<vmem>>[vector<16xi32>], vector<16xf32>,
        %add3A_725 = vector.broadcast %add3A_703 : i32 to vector<16xi32>
        %add3A_726 = arith.addi %add3A_151, %add3A_725 : vector<16xi32>
        tpu.vector_store_idx %arg9[%add3A_726], %gather3A_706 : memref<32768xf32, #tpu.memory_space<vmem>>[vector<16xi32>], vector<16xf32>,
        %add3A_727 = vector.broadcast %add3A_703 : i32 to vector<16xi32>
        %add3A_728 = arith.addi %add3A_165, %add3A_727 : vector<16xi32>
        tpu.vector_store_idx %arg9[%add3A_728], %gather3A_707 : memref<32768xf32, #tpu.memory_space<vmem>>[vector<16xi32>], vector<16xf32>,
        %add3A_729 = vector.broadcast %add3A_703 : i32 to vector<16xi32>
        %add3A_730 = arith.addi %add3A_179, %add3A_729 : vector<16xi32>
        tpu.vector_store_idx %arg9[%add3A_730], %gather3A_708 : memref<32768xf32, #tpu.memory_space<vmem>>[vector<16xi32>], vector<16xf32>,
        %add3A_731 = vector.broadcast %add3A_703 : i32 to vector<16xi32>
        %add3A_732 = arith.addi %add3A_193, %add3A_731 : vector<16xi32>
        tpu.vector_store_idx %arg9[%add3A_732], %gather3A_709 : memref<32768xf32, #tpu.memory_space<vmem>>[vector<16xi32>], vector<16xf32>,
        %add3A_733 = vector.broadcast %add3A_703 : i32 to vector<16xi32>
        %add3A_734 = arith.addi %add3A_207, %add3A_733 : vector<16xi32>
        tpu.vector_store_idx %arg9[%add3A_734], %gather3A_710 : memref<32768xf32, #tpu.memory_space<vmem>>[vector<16xi32>], vector<16xf32>,
        %add3A_735 = vector.broadcast %add3A_703 : i32 to vector<16xi32>
        %add3A_736 = arith.addi %add3A_221, %add3A_735 : vector<16xi32>
        tpu.vector_store_idx %arg9[%add3A_736], %gather3A_711 : memref<32768xf32, #tpu.memory_space<vmem>>[vector<16xi32>], vector<16xf32>,
        %add3A_737 = vector.broadcast %add3A_703 : i32 to vector<16xi32>
        %add3A_738 = arith.addi %add3A_235, %add3A_737 : vector<16xi32>
        tpu.vector_store_idx %arg9[%add3A_738], %gather3A_712 : memref<32768xf32, #tpu.memory_space<vmem>>[vector<16xi32>], vector<16xf32>,
        %add3A_739 = vector.broadcast %add3A_703 : i32 to vector<16xi32>
        %add3A_740 = arith.addi %add3A_249, %add3A_739 : vector<16xi32>
        tpu.vector_store_idx %arg9[%add3A_740], %gather3A_713 : memref<32768xf32, #tpu.memory_space<vmem>>[vector<16xi32>], vector<16xf32>,
        %add3A_741 = vector.broadcast %add3A_703 : i32 to vector<16xi32>
        %add3A_742 = arith.addi %add3A_263, %add3A_741 : vector<16xi32>
        tpu.vector_store_idx %arg9[%add3A_742], %gather3A_714 : memref<32768xf32, #tpu.memory_space<vmem>>[vector<16xi32>], vector<16xf32>,
        %add3A_743 = vector.broadcast %add3A_703 : i32 to vector<16xi32>
        %add3A_744 = arith.addi %add3A_277, %add3A_743 : vector<16xi32>
        tpu.vector_store_idx %arg9[%add3A_744], %gather3A_715 : memref<32768xf32, #tpu.memory_space<vmem>>[vector<16xi32>], vector<16xf32>,
        %add3A_745 = vector.broadcast %add3A_703 : i32 to vector<16xi32>
        %add3A_746 = arith.addi %add3A_291, %add3A_745 : vector<16xi32>
        tpu.vector_store_idx %arg9[%add3A_746], %gather3A_716 : memref<32768xf32, #tpu.memory_space<vmem>>[vector<16xi32>], vector<16xf32>,
        %add3A_747 = vector.broadcast %add3A_703 : i32 to vector<16xi32>
        %add3A_748 = arith.addi %add3A_305, %add3A_747 : vector<16xi32>
        tpu.vector_store_idx %arg9[%add3A_748], %gather3A_717 : memref<32768xf32, #tpu.memory_space<vmem>>[vector<16xi32>], vector<16xf32>,
        %add3A_749 = vector.broadcast %add3A_703 : i32 to vector<16xi32>
        %add3A_750 = arith.addi %add3A_319, %add3A_749 : vector<16xi32>
        tpu.vector_store_idx %arg9[%add3A_750], %gather3A_718 : memref<32768xf32, #tpu.memory_space<vmem>>[vector<16xi32>], vector<16xf32>,
      }
      %scan3A_518 = arith.constant 64 : i32
      %dma_start3A_519 = arith.constant 1 : i32
      %dma_start3A_520 = arith.constant 0 : i32
      %dma_start3A_521 = tpu.memref_slice %arg6[%dma_start3A_519, %dma_start3A_520] : memref<2x1024xi32, #tpu.memory_space<vmem>> -> memref<1x1024xi32, #tpu.memory_space<vmem>>
      %dma_start3A_522 = tpu.memref_squeeze %dma_start3A_521 : memref<1x1024xi32, #tpu.memory_space<vmem>> -> memref<1024xi32, #tpu.memory_space<vmem>>
      %dma_start3A_523 = arith.constant 0 : i32
      %dma_start3A_524 = arith.constant 0 : i32
      %dma_start3A_525 = tpu.memref_slice %arg3[%dma_start3A_523, %dma_start3A_524] : memref<1000000x16xf32, #tpu.memory_space<hbm>> -> memref<1000000x16xf32, #tpu.memory_space<hbm>>
      tpu.enqueue_indirect_dma source(%dma_start3A_525 : memref<1000000x16xf32, #tpu.memory_space<hbm>>) target(%arg8 : memref<1024x16xf32, #tpu.memory_space<vmem>>) offsets(%dma_start3A_522 : memref<1024xi32, #tpu.memory_space<vmem>>) semaphore(%arg12 : memref<!tpu.dma_semaphore, #tpu.memory_space<semaphore_mem>>)
      %jit3A_526 = arith.constant 8 : i32
      %div3A_527 = arith.divsi %add3A_475, %jit3A_526 : i32
      %sign3A_528 = arith.constant 0 : i32
      %sign3A_529 = arith.cmpi sgt, %add3A_475, %sign3A_528 : i32
      %sign3A_530 = arith.extui %sign3A_529 : i1 to i32
      %sign3A_531 = arith.constant 0 : i32
      %sign3A_532 = arith.cmpi slt, %add3A_475, %sign3A_531 : i32
      %sign3A_533 = arith.extui %sign3A_532 : i1 to i32
      %sign3A_534 = arith.subi %sign3A_530, %sign3A_533 : i32
      %sign3A_535 = arith.constant 0 : i32
      %sign3A_536 = arith.cmpi sgt, %jit3A_526, %sign3A_535 : i32
      %sign3A_537 = arith.extui %sign3A_536 : i1 to i32
      %sign3A_538 = arith.constant 0 : i32
      %sign3A_539 = arith.cmpi slt, %jit3A_526, %sign3A_538 : i32
      %sign3A_540 = arith.extui %sign3A_539 : i1 to i32
      %sign3A_541 = arith.subi %sign3A_537, %sign3A_540 : i32
      %ne3A_542 = arith.cmpi ne, %sign3A_534, %sign3A_541 : i32
      %rem3A_543 = arith.remsi %add3A_475, %jit3A_526 : i32
      %ne3A_544 = arith.constant 0 : i32
      %ne3A_545 = arith.cmpi ne, %rem3A_543, %ne3A_544 : i32
      %and3A_546 = arith.andi %ne3A_542, %ne3A_545 : i1
      %sub3A_547 = arith.constant 1 : i32
      %sub3A_548 = arith.subi %div3A_527, %sub3A_547 : i32
      %select_n3A_549 = arith.select %and3A_546, %sub3A_548, %div3A_527 : i32
      %mul3A_550 = arith.constant 262144 : i32
      %mul3A_551 = arith.muli %select_n3A_549, %mul3A_550 : i32
      %jit3A_552 = arith.constant 8 : i32
      %eq3A_553 = arith.constant 0 : i32
      %eq3A_554 = arith.cmpi eq, %jit3A_552, %eq3A_553 : i32
      %jit3A_555 = arith.constant 1 : i32
      %select_n3A_556 = arith.select %eq3A_554, %jit3A_555, %jit3A_552 : i32
      %rem3A_557 = arith.remsi %add3A_475, %select_n3A_556 : i32
      %ne3A_558 = arith.constant 0 : i32
      %ne3A_559 = arith.cmpi ne, %rem3A_557, %ne3A_558 : i32
      %lt3A_560 = arith.constant 0 : i32
      %lt3A_561 = arith.cmpi slt, %rem3A_557, %lt3A_560 : i32
      %lt3A_562 = arith.constant 0 : i32
      %lt3A_563 = arith.cmpi slt, %select_n3A_556, %lt3A_562 : i32
      %ne3A_564 = arith.xori %lt3A_561, %lt3A_563 : i1
      %and3A_565 = arith.andi %ne3A_564, %ne3A_559 : i1
      %add3A_566 = arith.addi %rem3A_557, %select_n3A_556 : i32
      %select_n3A_567 = arith.select %and3A_565, %add3A_566, %rem3A_557 : i32
      %mul3A_568 = arith.constant 16384 : i32
      %mul3A_569 = arith.muli %select_n3A_567, %mul3A_568 : i32
      %add3A_570 = arith.addi %mul3A_551, %mul3A_569 : i32
      %dma_start3A_571 = arith.constant 0 : i32
      %dma_start3A_572 = tpu.memref_slice %arg9[%dma_start3A_571] : memref<32768xf32, #tpu.memory_space<vmem>> -> memref<16384xf32, #tpu.memory_space<vmem>>
      %dma_start3A_573 = tpu.memref_slice %arg4[%add3A_570] : memref<52428800xf32, #tpu.memory_space<hbm>> -> memref<16384xf32, #tpu.memory_space<hbm>>
      %dma_start3A_574 = tpu.memref_slice %arg4[%add3A_570] : memref<52428800xf32, #tpu.memory_space<hbm>> -> memref<16384xf32, #tpu.memory_space<hbm>>
      %dma_start3A_575 = arith.constant 0 : i32
      %dma_start3A_576 = tpu.memref_slice %arg9[%dma_start3A_575] : memref<32768xf32, #tpu.memory_space<vmem>> -> memref<16384xf32, #tpu.memory_space<vmem>>
      tpu.enqueue_dma source(%dma_start3A_576 : memref<16384xf32, #tpu.memory_space<vmem>>) target(%dma_start3A_574 : memref<16384xf32, #tpu.memory_space<hbm>>) target_semaphore(%arg13 : memref<!tpu.dma_semaphore, #tpu.memory_space<semaphore_mem>>)
      %add3A_577 = arith.constant 131072 : i32
      %add3A_578 = arith.addi %add3A_570, %add3A_577 : i32
      %dma_start3A_579 = arith.constant 16384 : i32
      %dma_start3A_580 = tpu.memref_slice %arg9[%dma_start3A_579] : memref<32768xf32, #tpu.memory_space<vmem>> -> memref<16384xf32, #tpu.memory_space<vmem>>
      %dma_start3A_581 = tpu.memref_slice %arg4[%add3A_578] : memref<52428800xf32, #tpu.memory_space<hbm>> -> memref<16384xf32, #tpu.memory_space<hbm>>
      %dma_start3A_582 = tpu.memref_slice %arg4[%add3A_578] : memref<52428800xf32, #tpu.memory_space<hbm>> -> memref<16384xf32, #tpu.memory_space<hbm>>
      %dma_start3A_583 = arith.constant 16384 : i32
      %dma_start3A_584 = tpu.memref_slice %arg9[%dma_start3A_583] : memref<32768xf32, #tpu.memory_space<vmem>> -> memref<16384xf32, #tpu.memory_space<vmem>>
      tpu.enqueue_dma source(%dma_start3A_584 : memref<16384xf32, #tpu.memory_space<vmem>>) target(%dma_start3A_582 : memref<16384xf32, #tpu.memory_space<hbm>>) target_semaphore(%arg13 : memref<!tpu.dma_semaphore, #tpu.memory_space<semaphore_mem>>)
      %lt3A_585 = arith.constant 24 : i32
      %lt3A_586 = arith.cmpi slt, %scan3A_472, %lt3A_585 : i32
      %convert_element_type3A_587 = arith.extui %lt3A_586 : i1 to i32
      %cond3A_588 = arith.constant 0 : i32
      %cond3A_589 = arith.cmpi ne, %convert_element_type3A_587, %cond3A_588 : i32
      scf.if %cond3A_589 {
        %add3A_690 = arith.constant 2 : i32
        %add3A_691 = arith.addi %add3A_475, %add3A_690 : i32
        %mul3A_692 = arith.constant 2 : i32
        %mul3A_693 = arith.muli %mul3A_692, %add3A_691 : i32
        %dma_start3A_694 = arith.constant 0 : i32
        %dma_start3A_695 = tpu.memref_slice %arg2[%mul3A_693, %dma_start3A_694] : memref<3200x1024xi32, #tpu.memory_space<hbm>> -> memref<2x1024xi32, #tpu.memory_space<hbm>>
        %dma_start3A_696 = arith.constant 0 : i32
        %dma_start3A_697 = tpu.memref_slice %arg2[%mul3A_693, %dma_start3A_696] : memref<3200x1024xi32, #tpu.memory_space<hbm>> -> memref<2x1024xi32, #tpu.memory_space<hbm>>
        tpu.enqueue_dma source(%dma_start3A_697 : memref<2x1024xi32, #tpu.memory_space<hbm>>) target(%arg5 : memref<2x1024xi32, #tpu.memory_space<vmem>>) target_semaphore(%arg15 : memref<!tpu.dma_semaphore, #tpu.memory_space<semaphore_mem>>)
      } else {
      }
      %dma_wait3A_590 = arith.constant 0 : i32
      %dma_wait3A_591 = arith.constant 0 : i32
      %dma_wait3A_592 = tpu.memref_slice %arg6[%dma_wait3A_590, %dma_wait3A_591] : memref<2x1024xi32, #tpu.memory_space<vmem>> -> memref<1x1024xi32, #tpu.memory_space<vmem>>
      %dma_wait3A_593 = tpu.memref_squeeze %dma_wait3A_592 : memref<1x1024xi32, #tpu.memory_space<vmem>> -> memref<1024xi32, #tpu.memory_space<vmem>>
      %dma_wait3A_594 = arith.constant 0 : i32
      %dma_wait3A_595 = arith.constant 0 : i32
      %dma_wait3A_596 = tpu.memref_slice %arg3[%dma_wait3A_594, %dma_wait3A_595] : memref<1000000x16xf32, #tpu.memory_space<hbm>> -> memref<1000000x16xf32, #tpu.memory_space<hbm>>
      tpu.wait_indirect_dma semaphore(%arg11 : memref<!tpu.dma_semaphore, #tpu.memory_space<semaphore_mem>>) src(%dma_wait3A_596 : memref<1000000x16xf32, #tpu.memory_space<hbm>>) dst(%arg7 : memref<1024x16xf32, #tpu.memory_space<vmem>>)
      %gt3A_597 = arith.constant 0 : i32
      %gt3A_598 = arith.cmpi sgt, %scan3A_472, %gt3A_597 : i32
      %convert_element_type3A_599 = arith.extui %gt3A_598 : i1 to i32
      %cond3A_600 = arith.constant 0 : i32
      %cond3A_601 = arith.cmpi ne, %convert_element_type3A_599, %cond3A_600 : i32
      scf.if %cond3A_601 {
        %jit3A_690 = arith.constant 8 : i32
        %div3A_691 = arith.divsi %add3A_477, %jit3A_690 : i32
        %sign3A_692 = arith.constant 0 : i32
        %sign3A_693 = arith.cmpi sgt, %add3A_477, %sign3A_692 : i32
        %sign3A_694 = arith.extui %sign3A_693 : i1 to i32
        %sign3A_695 = arith.constant 0 : i32
        %sign3A_696 = arith.cmpi slt, %add3A_477, %sign3A_695 : i32
        %sign3A_697 = arith.extui %sign3A_696 : i1 to i32
        %sign3A_698 = arith.subi %sign3A_694, %sign3A_697 : i32
        %sign3A_699 = arith.constant 0 : i32
        %sign3A_700 = arith.cmpi sgt, %jit3A_690, %sign3A_699 : i32
        %sign3A_701 = arith.extui %sign3A_700 : i1 to i32
        %sign3A_702 = arith.constant 0 : i32
        %sign3A_703 = arith.cmpi slt, %jit3A_690, %sign3A_702 : i32
        %sign3A_704 = arith.extui %sign3A_703 : i1 to i32
        %sign3A_705 = arith.subi %sign3A_701, %sign3A_704 : i32
        %ne3A_706 = arith.cmpi ne, %sign3A_698, %sign3A_705 : i32
        %rem3A_707 = arith.remsi %add3A_477, %jit3A_690 : i32
        %ne3A_708 = arith.constant 0 : i32
        %ne3A_709 = arith.cmpi ne, %rem3A_707, %ne3A_708 : i32
        %and3A_710 = arith.andi %ne3A_706, %ne3A_709 : i1
        %sub3A_711 = arith.constant 1 : i32
        %sub3A_712 = arith.subi %div3A_691, %sub3A_711 : i32
        %select_n3A_713 = arith.select %and3A_710, %sub3A_712, %div3A_691 : i32
        %mul3A_714 = arith.constant 262144 : i32
        %mul3A_715 = arith.muli %select_n3A_713, %mul3A_714 : i32
        %jit3A_716 = arith.constant 8 : i32
        %eq3A_717 = arith.constant 0 : i32
        %eq3A_718 = arith.cmpi eq, %jit3A_716, %eq3A_717 : i32
        %jit3A_719 = arith.constant 1 : i32
        %select_n3A_720 = arith.select %eq3A_718, %jit3A_719, %jit3A_716 : i32
        %rem3A_721 = arith.remsi %add3A_477, %select_n3A_720 : i32
        %ne3A_722 = arith.constant 0 : i32
        %ne3A_723 = arith.cmpi ne, %rem3A_721, %ne3A_722 : i32
        %lt3A_724 = arith.constant 0 : i32
        %lt3A_725 = arith.cmpi slt, %rem3A_721, %lt3A_724 : i32
        %lt3A_726 = arith.constant 0 : i32
        %lt3A_727 = arith.cmpi slt, %select_n3A_720, %lt3A_726 : i32
        %ne3A_728 = arith.xori %lt3A_725, %lt3A_727 : i1
        %and3A_729 = arith.andi %ne3A_728, %ne3A_723 : i1
        %add3A_730 = arith.addi %rem3A_721, %select_n3A_720 : i32
        %select_n3A_731 = arith.select %and3A_729, %add3A_730, %rem3A_721 : i32
        %mul3A_732 = arith.constant 16384 : i32
        %mul3A_733 = arith.muli %select_n3A_731, %mul3A_732 : i32
        %add3A_734 = arith.addi %mul3A_715, %mul3A_733 : i32
        %dma_wait3A_735 = arith.constant 0 : i32
        %dma_wait3A_736 = tpu.memref_slice %arg10[%dma_wait3A_735] : memref<32768xf32, #tpu.memory_space<vmem>> -> memref<16384xf32, #tpu.memory_space<vmem>>
        %dma_wait3A_737 = tpu.memref_slice %arg4[%add3A_734] : memref<52428800xf32, #tpu.memory_space<hbm>> -> memref<16384xf32, #tpu.memory_space<hbm>>
        %dma_wait3A_738 = tpu.memref_slice %arg4[%add3A_734] : memref<52428800xf32, #tpu.memory_space<hbm>> -> memref<16384xf32, #tpu.memory_space<hbm>>
        %dma_wait3A_739 = arith.constant 0 : i32
        %dma_wait3A_740 = tpu.memref_slice %arg10[%dma_wait3A_739] : memref<32768xf32, #tpu.memory_space<vmem>> -> memref<16384xf32, #tpu.memory_space<vmem>>
        tpu.wait_dma2 semaphore(%arg14 : memref<!tpu.dma_semaphore, #tpu.memory_space<semaphore_mem>>) src(%dma_wait3A_740 : memref<16384xf32, #tpu.memory_space<vmem>>) dst(%dma_wait3A_738 : memref<16384xf32, #tpu.memory_space<hbm>>)
        %add3A_741 = arith.constant 131072 : i32
        %add3A_742 = arith.addi %add3A_734, %add3A_741 : i32
        %dma_wait3A_743 = arith.constant 16384 : i32
        %dma_wait3A_744 = tpu.memref_slice %arg10[%dma_wait3A_743] : memref<32768xf32, #tpu.memory_space<vmem>> -> memref<16384xf32, #tpu.memory_space<vmem>>
        %dma_wait3A_745 = tpu.memref_slice %arg4[%add3A_742] : memref<52428800xf32, #tpu.memory_space<hbm>> -> memref<16384xf32, #tpu.memory_space<hbm>>
        %dma_wait3A_746 = tpu.memref_slice %arg4[%add3A_742] : memref<52428800xf32, #tpu.memory_space<hbm>> -> memref<16384xf32, #tpu.memory_space<hbm>>
        %dma_wait3A_747 = arith.constant 16384 : i32
        %dma_wait3A_748 = tpu.memref_slice %arg10[%dma_wait3A_747] : memref<32768xf32, #tpu.memory_space<vmem>> -> memref<16384xf32, #tpu.memory_space<vmem>>
        tpu.wait_dma2 semaphore(%arg14 : memref<!tpu.dma_semaphore, #tpu.memory_space<semaphore_mem>>) src(%dma_wait3A_748 : memref<16384xf32, #tpu.memory_space<vmem>>) dst(%dma_wait3A_746 : memref<16384xf32, #tpu.memory_space<hbm>>)
      } else {
      }
      %scan3A_602 = arith.constant 0 : i32
      %scan3A_603 = arith.constant 0 : i32
      %scan3A_604 = arith.constant 64 : i32
      %scan3A_605 = arith.addi %scan3A_603, %scan3A_604 : i32
      %scan3A_606 = arith.constant 1 : i32
      scf.for %scan3A_690 = %scan3A_603 to %scan3A_605 step %scan3A_606  : i32 {
        %mul3A_691 = arith.constant 16 : i32
        %mul3A_692 = arith.muli %scan3A_690, %mul3A_691 : i32
        %add3A_693 = vector.broadcast %mul3A_692 : i32 to vector<16xi32>
        %add3A_694 = arith.addi %iota3A, %add3A_693 : vector<16xi32>
        %shift_right_arithmetic3A_695 = arith.constant 7 : i32
        %shift_right_arithmetic3A_696 = arith.shrsi %mul3A_692, %shift_right_arithmetic3A_695 : i32
        %shift_left3A_697 = arith.constant 10 : i32
        %shift_left3A_698 = arith.shli %shift_right_arithmetic3A_696, %shift_left3A_697 : i32
        %add3A_699 = arith.constant 0 : i32
        %add3A_700 = arith.addi %add3A_699, %shift_left3A_698 : i32
        %and3A_701 = arith.constant 127 : i32
        %and3A_702 = arith.andi %mul3A_692, %and3A_701 : i32
        %add3A_703 = arith.addi %add3A_700, %and3A_702 : i32
        %gather3A = tpu.vector_load_idx %arg7[%add3A_694, %and3A_7] : memref<1024x16xf32, #tpu.memory_space<vmem>>[vector<16xi32>, vector<16xi32>], vector<16xf32>,
        %gather3A_704 = tpu.vector_load_idx %arg7[%add3A_694, %and3A_13] : memref<1024x16xf32, #tpu.memory_space<vmem>>[vector<16xi32>, vector<16xi32>], vector<16xf32>,
        %gather3A_705 = tpu.vector_load_idx %arg7[%add3A_694, %and3A_19] : memref<1024x16xf32, #tpu.memory_space<vmem>>[vector<16xi32>, vector<16xi32>], vector<16xf32>,
        %gather3A_706 = tpu.vector_load_idx %arg7[%add3A_694, %and3A_25] : memref<1024x16xf32, #tpu.memory_space<vmem>>[vector<16xi32>, vector<16xi32>], vector<16xf32>,
        %gather3A_707 = tpu.vector_load_idx %arg7[%add3A_694, %and3A_31] : memref<1024x16xf32, #tpu.memory_space<vmem>>[vector<16xi32>, vector<16xi32>], vector<16xf32>,
        %gather3A_708 = tpu.vector_load_idx %arg7[%add3A_694, %and3A_37] : memref<1024x16xf32, #tpu.memory_space<vmem>>[vector<16xi32>, vector<16xi32>], vector<16xf32>,
        %gather3A_709 = tpu.vector_load_idx %arg7[%add3A_694, %and3A_43] : memref<1024x16xf32, #tpu.memory_space<vmem>>[vector<16xi32>, vector<16xi32>], vector<16xf32>,
        %gather3A_710 = tpu.vector_load_idx %arg7[%add3A_694, %and3A_49] : memref<1024x16xf32, #tpu.memory_space<vmem>>[vector<16xi32>, vector<16xi32>], vector<16xf32>,
        %gather3A_711 = tpu.vector_load_idx %arg7[%add3A_694, %and3A_55] : memref<1024x16xf32, #tpu.memory_space<vmem>>[vector<16xi32>, vector<16xi32>], vector<16xf32>,
        %gather3A_712 = tpu.vector_load_idx %arg7[%add3A_694, %and3A_61] : memref<1024x16xf32, #tpu.memory_space<vmem>>[vector<16xi32>, vector<16xi32>], vector<16xf32>,
        %gather3A_713 = tpu.vector_load_idx %arg7[%add3A_694, %and3A_67] : memref<1024x16xf32, #tpu.memory_space<vmem>>[vector<16xi32>, vector<16xi32>], vector<16xf32>,
        %gather3A_714 = tpu.vector_load_idx %arg7[%add3A_694, %and3A_73] : memref<1024x16xf32, #tpu.memory_space<vmem>>[vector<16xi32>, vector<16xi32>], vector<16xf32>,
        %gather3A_715 = tpu.vector_load_idx %arg7[%add3A_694, %and3A_79] : memref<1024x16xf32, #tpu.memory_space<vmem>>[vector<16xi32>, vector<16xi32>], vector<16xf32>,
        %gather3A_716 = tpu.vector_load_idx %arg7[%add3A_694, %and3A_85] : memref<1024x16xf32, #tpu.memory_space<vmem>>[vector<16xi32>, vector<16xi32>], vector<16xf32>,
        %gather3A_717 = tpu.vector_load_idx %arg7[%add3A_694, %and3A_91] : memref<1024x16xf32, #tpu.memory_space<vmem>>[vector<16xi32>, vector<16xi32>], vector<16xf32>,
        %gather3A_718 = tpu.vector_load_idx %arg7[%add3A_694, %and3A_97] : memref<1024x16xf32, #tpu.memory_space<vmem>>[vector<16xi32>, vector<16xi32>], vector<16xf32>,
        %add3A_719 = vector.broadcast %add3A_703 : i32 to vector<16xi32>
        %add3A_720 = arith.addi %add3A_109, %add3A_719 : vector<16xi32>
        tpu.vector_store_idx %arg10[%add3A_720], %gather3A : memref<32768xf32, #tpu.memory_space<vmem>>[vector<16xi32>], vector<16xf32>,
        %add3A_721 = vector.broadcast %add3A_703 : i32 to vector<16xi32>
        %add3A_722 = arith.addi %add3A_123, %add3A_721 : vector<16xi32>
        tpu.vector_store_idx %arg10[%add3A_722], %gather3A_704 : memref<32768xf32, #tpu.memory_space<vmem>>[vector<16xi32>], vector<16xf32>,
        %add3A_723 = vector.broadcast %add3A_703 : i32 to vector<16xi32>
        %add3A_724 = arith.addi %add3A_137, %add3A_723 : vector<16xi32>
        tpu.vector_store_idx %arg10[%add3A_724], %gather3A_705 : memref<32768xf32, #tpu.memory_space<vmem>>[vector<16xi32>], vector<16xf32>,
        %add3A_725 = vector.broadcast %add3A_703 : i32 to vector<16xi32>
        %add3A_726 = arith.addi %add3A_151, %add3A_725 : vector<16xi32>
        tpu.vector_store_idx %arg10[%add3A_726], %gather3A_706 : memref<32768xf32, #tpu.memory_space<vmem>>[vector<16xi32>], vector<16xf32>,
        %add3A_727 = vector.broadcast %add3A_703 : i32 to vector<16xi32>
        %add3A_728 = arith.addi %add3A_165, %add3A_727 : vector<16xi32>
        tpu.vector_store_idx %arg10[%add3A_728], %gather3A_707 : memref<32768xf32, #tpu.memory_space<vmem>>[vector<16xi32>], vector<16xf32>,
        %add3A_729 = vector.broadcast %add3A_703 : i32 to vector<16xi32>
        %add3A_730 = arith.addi %add3A_179, %add3A_729 : vector<16xi32>
        tpu.vector_store_idx %arg10[%add3A_730], %gather3A_708 : memref<32768xf32, #tpu.memory_space<vmem>>[vector<16xi32>], vector<16xf32>,
        %add3A_731 = vector.broadcast %add3A_703 : i32 to vector<16xi32>
        %add3A_732 = arith.addi %add3A_193, %add3A_731 : vector<16xi32>
        tpu.vector_store_idx %arg10[%add3A_732], %gather3A_709 : memref<32768xf32, #tpu.memory_space<vmem>>[vector<16xi32>], vector<16xf32>,
        %add3A_733 = vector.broadcast %add3A_703 : i32 to vector<16xi32>
        %add3A_734 = arith.addi %add3A_207, %add3A_733 : vector<16xi32>
        tpu.vector_store_idx %arg10[%add3A_734], %gather3A_710 : memref<32768xf32, #tpu.memory_space<vmem>>[vector<16xi32>], vector<16xf32>,
        %add3A_735 = vector.broadcast %add3A_703 : i32 to vector<16xi32>
        %add3A_736 = arith.addi %add3A_221, %add3A_735 : vector<16xi32>
        tpu.vector_store_idx %arg10[%add3A_736], %gather3A_711 : memref<32768xf32, #tpu.memory_space<vmem>>[vector<16xi32>], vector<16xf32>,
        %add3A_737 = vector.broadcast %add3A_703 : i32 to vector<16xi32>
        %add3A_738 = arith.addi %add3A_235, %add3A_737 : vector<16xi32>
        tpu.vector_store_idx %arg10[%add3A_738], %gather3A_712 : memref<32768xf32, #tpu.memory_space<vmem>>[vector<16xi32>], vector<16xf32>,
        %add3A_739 = vector.broadcast %add3A_703 : i32 to vector<16xi32>
        %add3A_740 = arith.addi %add3A_249, %add3A_739 : vector<16xi32>
        tpu.vector_store_idx %arg10[%add3A_740], %gather3A_713 : memref<32768xf32, #tpu.memory_space<vmem>>[vector<16xi32>], vector<16xf32>,
        %add3A_741 = vector.broadcast %add3A_703 : i32 to vector<16xi32>
        %add3A_742 = arith.addi %add3A_263, %add3A_741 : vector<16xi32>
        tpu.vector_store_idx %arg10[%add3A_742], %gather3A_714 : memref<32768xf32, #tpu.memory_space<vmem>>[vector<16xi32>], vector<16xf32>,
        %add3A_743 = vector.broadcast %add3A_703 : i32 to vector<16xi32>
        %add3A_744 = arith.addi %add3A_277, %add3A_743 : vector<16xi32>
        tpu.vector_store_idx %arg10[%add3A_744], %gather3A_715 : memref<32768xf32, #tpu.memory_space<vmem>>[vector<16xi32>], vector<16xf32>,
        %add3A_745 = vector.broadcast %add3A_703 : i32 to vector<16xi32>
        %add3A_746 = arith.addi %add3A_291, %add3A_745 : vector<16xi32>
        tpu.vector_store_idx %arg10[%add3A_746], %gather3A_716 : memref<32768xf32, #tpu.memory_space<vmem>>[vector<16xi32>], vector<16xf32>,
        %add3A_747 = vector.broadcast %add3A_703 : i32 to vector<16xi32>
        %add3A_748 = arith.addi %add3A_305, %add3A_747 : vector<16xi32>
        tpu.vector_store_idx %arg10[%add3A_748], %gather3A_717 : memref<32768xf32, #tpu.memory_space<vmem>>[vector<16xi32>], vector<16xf32>,
        %add3A_749 = vector.broadcast %add3A_703 : i32 to vector<16xi32>
        %add3A_750 = arith.addi %add3A_319, %add3A_749 : vector<16xi32>
        tpu.vector_store_idx %arg10[%add3A_750], %gather3A_718 : memref<32768xf32, #tpu.memory_space<vmem>>[vector<16xi32>], vector<16xf32>,
      }
      %scan3A_607 = arith.constant 64 : i32
      %lt3A_608 = arith.constant 24 : i32
      %lt3A_609 = arith.cmpi slt, %scan3A_472, %lt3A_608 : i32
      %convert_element_type3A_610 = arith.extui %lt3A_609 : i1 to i32
      %cond3A_611 = arith.constant 0 : i32
      %cond3A_612 = arith.cmpi ne, %convert_element_type3A_610, %cond3A_611 : i32
      scf.if %cond3A_612 {
        %add3A_690 = arith.constant 2 : i32
        %add3A_691 = arith.addi %add3A_475, %add3A_690 : i32
        %mul3A_692 = arith.constant 2 : i32
        %mul3A_693 = arith.muli %mul3A_692, %add3A_691 : i32
        %dma_wait3A_694 = arith.constant 0 : i32
        %dma_wait3A_695 = tpu.memref_slice %arg2[%mul3A_693, %dma_wait3A_694] : memref<3200x1024xi32, #tpu.memory_space<hbm>> -> memref<2x1024xi32, #tpu.memory_space<hbm>>
        %dma_wait3A_696 = arith.constant 0 : i32
        %dma_wait3A_697 = tpu.memref_slice %arg2[%mul3A_693, %dma_wait3A_696] : memref<3200x1024xi32, #tpu.memory_space<hbm>> -> memref<2x1024xi32, #tpu.memory_space<hbm>>
        tpu.wait_dma2 semaphore(%arg15 : memref<!tpu.dma_semaphore, #tpu.memory_space<semaphore_mem>>) src(%dma_wait3A_697 : memref<2x1024xi32, #tpu.memory_space<hbm>>) dst(%arg5 : memref<2x1024xi32, #tpu.memory_space<vmem>>)
        %dma_start3A_698 = arith.constant 0 : i32
        %dma_start3A_699 = arith.constant 0 : i32
        %dma_start3A_700 = tpu.memref_slice %arg5[%dma_start3A_698, %dma_start3A_699] : memref<2x1024xi32, #tpu.memory_space<vmem>> -> memref<1x1024xi32, #tpu.memory_space<vmem>>
        %dma_start3A_701 = tpu.memref_squeeze %dma_start3A_700 : memref<1x1024xi32, #tpu.memory_space<vmem>> -> memref<1024xi32, #tpu.memory_space<vmem>>
        %dma_start3A_702 = arith.constant 0 : i32
        %dma_start3A_703 = arith.constant 0 : i32
        %dma_start3A_704 = tpu.memref_slice %arg3[%dma_start3A_702, %dma_start3A_703] : memref<1000000x16xf32, #tpu.memory_space<hbm>> -> memref<1000000x16xf32, #tpu.memory_space<hbm>>
        tpu.enqueue_indirect_dma source(%dma_start3A_704 : memref<1000000x16xf32, #tpu.memory_space<hbm>>) target(%arg7 : memref<1024x16xf32, #tpu.memory_space<vmem>>) offsets(%dma_start3A_701 : memref<1024xi32, #tpu.memory_space<vmem>>) semaphore(%arg11 : memref<!tpu.dma_semaphore, #tpu.memory_space<semaphore_mem>>)
      } else {
      }
      %dma_wait3A_613 = arith.constant 1 : i32
      %dma_wait3A_614 = arith.constant 0 : i32
      %dma_wait3A_615 = tpu.memref_slice %arg6[%dma_wait3A_613, %dma_wait3A_614] : memref<2x1024xi32, #tpu.memory_space<vmem>> -> memref<1x1024xi32, #tpu.memory_space<vmem>>
      %dma_wait3A_616 = tpu.memref_squeeze %dma_wait3A_615 : memref<1x1024xi32, #tpu.memory_space<vmem>> -> memref<1024xi32, #tpu.memory_space<vmem>>
      %dma_wait3A_617 = arith.constant 0 : i32
      %dma_wait3A_618 = arith.constant 0 : i32
      %dma_wait3A_619 = tpu.memref_slice %arg3[%dma_wait3A_617, %dma_wait3A_618] : memref<1000000x16xf32, #tpu.memory_space<hbm>> -> memref<1000000x16xf32, #tpu.memory_space<hbm>>
      tpu.wait_indirect_dma semaphore(%arg12 : memref<!tpu.dma_semaphore, #tpu.memory_space<semaphore_mem>>) src(%dma_wait3A_619 : memref<1000000x16xf32, #tpu.memory_space<hbm>>) dst(%arg8 : memref<1024x16xf32, #tpu.memory_space<vmem>>)
      %scan3A_620 = arith.constant 0 : i32
      %scan3A_621 = arith.constant 0 : i32
      %scan3A_622 = arith.constant 64 : i32
      %scan3A_623 = arith.addi %scan3A_621, %scan3A_622 : i32
      %scan3A_624 = arith.constant 1 : i32
      scf.for %scan3A_690 = %scan3A_621 to %scan3A_623 step %scan3A_624  : i32 {
        %mul3A_691 = arith.constant 16 : i32
        %mul3A_692 = arith.muli %scan3A_690, %mul3A_691 : i32
        %add3A_693 = vector.broadcast %mul3A_692 : i32 to vector<16xi32>
        %add3A_694 = arith.addi %iota3A, %add3A_693 : vector<16xi32>
        %shift_right_arithmetic3A_695 = arith.constant 7 : i32
        %shift_right_arithmetic3A_696 = arith.shrsi %mul3A_692, %shift_right_arithmetic3A_695 : i32
        %shift_left3A_697 = arith.constant 10 : i32
        %shift_left3A_698 = arith.shli %shift_right_arithmetic3A_696, %shift_left3A_697 : i32
        %add3A_699 = arith.constant 8192 : i32
        %add3A_700 = arith.addi %add3A_699, %shift_left3A_698 : i32
        %and3A_701 = arith.constant 127 : i32
        %and3A_702 = arith.andi %mul3A_692, %and3A_701 : i32
        %add3A_703 = arith.addi %add3A_700, %and3A_702 : i32
        %gather3A = tpu.vector_load_idx %arg8[%add3A_694, %and3A_7] : memref<1024x16xf32, #tpu.memory_space<vmem>>[vector<16xi32>, vector<16xi32>], vector<16xf32>,
        %gather3A_704 = tpu.vector_load_idx %arg8[%add3A_694, %and3A_13] : memref<1024x16xf32, #tpu.memory_space<vmem>>[vector<16xi32>, vector<16xi32>], vector<16xf32>,
        %gather3A_705 = tpu.vector_load_idx %arg8[%add3A_694, %and3A_19] : memref<1024x16xf32, #tpu.memory_space<vmem>>[vector<16xi32>, vector<16xi32>], vector<16xf32>,
        %gather3A_706 = tpu.vector_load_idx %arg8[%add3A_694, %and3A_25] : memref<1024x16xf32, #tpu.memory_space<vmem>>[vector<16xi32>, vector<16xi32>], vector<16xf32>,
        %gather3A_707 = tpu.vector_load_idx %arg8[%add3A_694, %and3A_31] : memref<1024x16xf32, #tpu.memory_space<vmem>>[vector<16xi32>, vector<16xi32>], vector<16xf32>,
        %gather3A_708 = tpu.vector_load_idx %arg8[%add3A_694, %and3A_37] : memref<1024x16xf32, #tpu.memory_space<vmem>>[vector<16xi32>, vector<16xi32>], vector<16xf32>,
        %gather3A_709 = tpu.vector_load_idx %arg8[%add3A_694, %and3A_43] : memref<1024x16xf32, #tpu.memory_space<vmem>>[vector<16xi32>, vector<16xi32>], vector<16xf32>,
        %gather3A_710 = tpu.vector_load_idx %arg8[%add3A_694, %and3A_49] : memref<1024x16xf32, #tpu.memory_space<vmem>>[vector<16xi32>, vector<16xi32>], vector<16xf32>,
        %gather3A_711 = tpu.vector_load_idx %arg8[%add3A_694, %and3A_55] : memref<1024x16xf32, #tpu.memory_space<vmem>>[vector<16xi32>, vector<16xi32>], vector<16xf32>,
        %gather3A_712 = tpu.vector_load_idx %arg8[%add3A_694, %and3A_61] : memref<1024x16xf32, #tpu.memory_space<vmem>>[vector<16xi32>, vector<16xi32>], vector<16xf32>,
        %gather3A_713 = tpu.vector_load_idx %arg8[%add3A_694, %and3A_67] : memref<1024x16xf32, #tpu.memory_space<vmem>>[vector<16xi32>, vector<16xi32>], vector<16xf32>,
        %gather3A_714 = tpu.vector_load_idx %arg8[%add3A_694, %and3A_73] : memref<1024x16xf32, #tpu.memory_space<vmem>>[vector<16xi32>, vector<16xi32>], vector<16xf32>,
        %gather3A_715 = tpu.vector_load_idx %arg8[%add3A_694, %and3A_79] : memref<1024x16xf32, #tpu.memory_space<vmem>>[vector<16xi32>, vector<16xi32>], vector<16xf32>,
        %gather3A_716 = tpu.vector_load_idx %arg8[%add3A_694, %and3A_85] : memref<1024x16xf32, #tpu.memory_space<vmem>>[vector<16xi32>, vector<16xi32>], vector<16xf32>,
        %gather3A_717 = tpu.vector_load_idx %arg8[%add3A_694, %and3A_91] : memref<1024x16xf32, #tpu.memory_space<vmem>>[vector<16xi32>, vector<16xi32>], vector<16xf32>,
        %gather3A_718 = tpu.vector_load_idx %arg8[%add3A_694, %and3A_97] : memref<1024x16xf32, #tpu.memory_space<vmem>>[vector<16xi32>, vector<16xi32>], vector<16xf32>,
        %add3A_719 = vector.broadcast %add3A_703 : i32 to vector<16xi32>
        %add3A_720 = arith.addi %add3A_109, %add3A_719 : vector<16xi32>
        tpu.vector_store_idx %arg10[%add3A_720], %gather3A : memref<32768xf32, #tpu.memory_space<vmem>>[vector<16xi32>], vector<16xf32>,
        %add3A_721 = vector.broadcast %add3A_703 : i32 to vector<16xi32>
        %add3A_722 = arith.addi %add3A_123, %add3A_721 : vector<16xi32>
        tpu.vector_store_idx %arg10[%add3A_722], %gather3A_704 : memref<32768xf32, #tpu.memory_space<vmem>>[vector<16xi32>], vector<16xf32>,
        %add3A_723 = vector.broadcast %add3A_703 : i32 to vector<16xi32>
        %add3A_724 = arith.addi %add3A_137, %add3A_723 : vector<16xi32>
        tpu.vector_store_idx %arg10[%add3A_724], %gather3A_705 : memref<32768xf32, #tpu.memory_space<vmem>>[vector<16xi32>], vector<16xf32>,
        %add3A_725 = vector.broadcast %add3A_703 : i32 to vector<16xi32>
        %add3A_726 = arith.addi %add3A_151, %add3A_725 : vector<16xi32>
        tpu.vector_store_idx %arg10[%add3A_726], %gather3A_706 : memref<32768xf32, #tpu.memory_space<vmem>>[vector<16xi32>], vector<16xf32>,
        %add3A_727 = vector.broadcast %add3A_703 : i32 to vector<16xi32>
        %add3A_728 = arith.addi %add3A_165, %add3A_727 : vector<16xi32>
        tpu.vector_store_idx %arg10[%add3A_728], %gather3A_707 : memref<32768xf32, #tpu.memory_space<vmem>>[vector<16xi32>], vector<16xf32>,
        %add3A_729 = vector.broadcast %add3A_703 : i32 to vector<16xi32>
        %add3A_730 = arith.addi %add3A_179, %add3A_729 : vector<16xi32>
        tpu.vector_store_idx %arg10[%add3A_730], %gather3A_708 : memref<32768xf32, #tpu.memory_space<vmem>>[vector<16xi32>], vector<16xf32>,
        %add3A_731 = vector.broadcast %add3A_703 : i32 to vector<16xi32>
        %add3A_732 = arith.addi %add3A_193, %add3A_731 : vector<16xi32>
        tpu.vector_store_idx %arg10[%add3A_732], %gather3A_709 : memref<32768xf32, #tpu.memory_space<vmem>>[vector<16xi32>], vector<16xf32>,
        %add3A_733 = vector.broadcast %add3A_703 : i32 to vector<16xi32>
        %add3A_734 = arith.addi %add3A_207, %add3A_733 : vector<16xi32>
        tpu.vector_store_idx %arg10[%add3A_734], %gather3A_710 : memref<32768xf32, #tpu.memory_space<vmem>>[vector<16xi32>], vector<16xf32>,
        %add3A_735 = vector.broadcast %add3A_703 : i32 to vector<16xi32>
        %add3A_736 = arith.addi %add3A_221, %add3A_735 : vector<16xi32>
        tpu.vector_store_idx %arg10[%add3A_736], %gather3A_711 : memref<32768xf32, #tpu.memory_space<vmem>>[vector<16xi32>], vector<16xf32>,
        %add3A_737 = vector.broadcast %add3A_703 : i32 to vector<16xi32>
        %add3A_738 = arith.addi %add3A_235, %add3A_737 : vector<16xi32>
        tpu.vector_store_idx %arg10[%add3A_738], %gather3A_712 : memref<32768xf32, #tpu.memory_space<vmem>>[vector<16xi32>], vector<16xf32>,
        %add3A_739 = vector.broadcast %add3A_703 : i32 to vector<16xi32>
        %add3A_740 = arith.addi %add3A_249, %add3A_739 : vector<16xi32>
        tpu.vector_store_idx %arg10[%add3A_740], %gather3A_713 : memref<32768xf32, #tpu.memory_space<vmem>>[vector<16xi32>], vector<16xf32>,
        %add3A_741 = vector.broadcast %add3A_703 : i32 to vector<16xi32>
        %add3A_742 = arith.addi %add3A_263, %add3A_741 : vector<16xi32>
        tpu.vector_store_idx %arg10[%add3A_742], %gather3A_714 : memref<32768xf32, #tpu.memory_space<vmem>>[vector<16xi32>], vector<16xf32>,
        %add3A_743 = vector.broadcast %add3A_703 : i32 to vector<16xi32>
        %add3A_744 = arith.addi %add3A_277, %add3A_743 : vector<16xi32>
        tpu.vector_store_idx %arg10[%add3A_744], %gather3A_715 : memref<32768xf32, #tpu.memory_space<vmem>>[vector<16xi32>], vector<16xf32>,
        %add3A_745 = vector.broadcast %add3A_703 : i32 to vector<16xi32>
        %add3A_746 = arith.addi %add3A_291, %add3A_745 : vector<16xi32>
        tpu.vector_store_idx %arg10[%add3A_746], %gather3A_716 : memref<32768xf32, #tpu.memory_space<vmem>>[vector<16xi32>], vector<16xf32>,
        %add3A_747 = vector.broadcast %add3A_703 : i32 to vector<16xi32>
        %add3A_748 = arith.addi %add3A_305, %add3A_747 : vector<16xi32>
        tpu.vector_store_idx %arg10[%add3A_748], %gather3A_717 : memref<32768xf32, #tpu.memory_space<vmem>>[vector<16xi32>], vector<16xf32>,
        %add3A_749 = vector.broadcast %add3A_703 : i32 to vector<16xi32>
        %add3A_750 = arith.addi %add3A_319, %add3A_749 : vector<16xi32>
        tpu.vector_store_idx %arg10[%add3A_750], %gather3A_718 : memref<32768xf32, #tpu.memory_space<vmem>>[vector<16xi32>], vector<16xf32>,
      }
      %scan3A_625 = arith.constant 64 : i32
      %lt3A_626 = arith.constant 24 : i32
      %lt3A_627 = arith.cmpi slt, %scan3A_472, %lt3A_626 : i32
      %convert_element_type3A_628 = arith.extui %lt3A_627 : i1 to i32
      %cond3A_629 = arith.constant 0 : i32
      %cond3A_630 = arith.cmpi ne, %convert_element_type3A_628, %cond3A_629 : i32
      scf.if %cond3A_630 {
        %dma_start3A_690 = arith.constant 1 : i32
        %dma_start3A_691 = arith.constant 0 : i32
        %dma_start3A_692 = tpu.memref_slice %arg5[%dma_start3A_690, %dma_start3A_691] : memref<2x1024xi32, #tpu.memory_space<vmem>> -> memref<1x1024xi32, #tpu.memory_space<vmem>>
        %dma_start3A_693 = tpu.memref_squeeze %dma_start3A_692 : memref<1x1024xi32, #tpu.memory_space<vmem>> -> memref<1024xi32, #tpu.memory_space<vmem>>
        %dma_start3A_694 = arith.constant 0 : i32
        %dma_start3A_695 = arith.constant 0 : i32
        %dma_start3A_696 = tpu.memref_slice %arg3[%dma_start3A_694, %dma_start3A_695] : memref<1000000x16xf32, #tpu.memory_space<hbm>> -> memref<1000000x16xf32, #tpu.memory_space<hbm>>
        tpu.enqueue_indirect_dma source(%dma_start3A_696 : memref<1000000x16xf32, #tpu.memory_space<hbm>>) target(%arg8 : memref<1024x16xf32, #tpu.memory_space<vmem>>) offsets(%dma_start3A_693 : memref<1024xi32, #tpu.memory_space<vmem>>) semaphore(%arg12 : memref<!tpu.dma_semaphore, #tpu.memory_space<semaphore_mem>>)
        %add3A_697 = arith.constant 2 : i32
        %add3A_698 = arith.addi %add3A_477, %add3A_697 : i32
        %mul3A_699 = arith.constant 2 : i32
        %mul3A_700 = arith.muli %mul3A_699, %add3A_698 : i32
        %dma_start3A_701 = arith.constant 0 : i32
        %dma_start3A_702 = tpu.memref_slice %arg2[%mul3A_700, %dma_start3A_701] : memref<3200x1024xi32, #tpu.memory_space<hbm>> -> memref<2x1024xi32, #tpu.memory_space<hbm>>
        %dma_start3A_703 = arith.constant 0 : i32
        %dma_start3A_704 = tpu.memref_slice %arg2[%mul3A_700, %dma_start3A_703] : memref<3200x1024xi32, #tpu.memory_space<hbm>> -> memref<2x1024xi32, #tpu.memory_space<hbm>>
        tpu.enqueue_dma source(%dma_start3A_704 : memref<2x1024xi32, #tpu.memory_space<hbm>>) target(%arg6 : memref<2x1024xi32, #tpu.memory_space<vmem>>) target_semaphore(%arg16 : memref<!tpu.dma_semaphore, #tpu.memory_space<semaphore_mem>>)
      } else {
      }
      %jit3A_631 = arith.constant 8 : i32
      %div3A_632 = arith.divsi %add3A_477, %jit3A_631 : i32
      %sign3A_633 = arith.constant 0 : i32
      %sign3A_634 = arith.cmpi sgt, %add3A_477, %sign3A_633 : i32
      %sign3A_635 = arith.extui %sign3A_634 : i1 to i32
      %sign3A_636 = arith.constant 0 : i32
      %sign3A_637 = arith.cmpi slt, %add3A_477, %sign3A_636 : i32
      %sign3A_638 = arith.extui %sign3A_637 : i1 to i32
      %sign3A_639 = arith.subi %sign3A_635, %sign3A_638 : i32
      %sign3A_640 = arith.constant 0 : i32
      %sign3A_641 = arith.cmpi sgt, %jit3A_631, %sign3A_640 : i32
      %sign3A_642 = arith.extui %sign3A_641 : i1 to i32
      %sign3A_643 = arith.constant 0 : i32
      %sign3A_644 = arith.cmpi slt, %jit3A_631, %sign3A_643 : i32
      %sign3A_645 = arith.extui %sign3A_644 : i1 to i32
      %sign3A_646 = arith.subi %sign3A_642, %sign3A_645 : i32
      %ne3A_647 = arith.cmpi ne, %sign3A_639, %sign3A_646 : i32
      %rem3A_648 = arith.remsi %add3A_477, %jit3A_631 : i32
      %ne3A_649 = arith.constant 0 : i32
      %ne3A_650 = arith.cmpi ne, %rem3A_648, %ne3A_649 : i32
      %and3A_651 = arith.andi %ne3A_647, %ne3A_650 : i1
      %sub3A_652 = arith.constant 1 : i32
      %sub3A_653 = arith.subi %div3A_632, %sub3A_652 : i32
      %select_n3A_654 = arith.select %and3A_651, %sub3A_653, %div3A_632 : i32
      %mul3A_655 = arith.constant 262144 : i32
      %mul3A_656 = arith.muli %select_n3A_654, %mul3A_655 : i32
      %jit3A_657 = arith.constant 8 : i32
      %eq3A_658 = arith.constant 0 : i32
      %eq3A_659 = arith.cmpi eq, %jit3A_657, %eq3A_658 : i32
      %jit3A_660 = arith.constant 1 : i32
      %select_n3A_661 = arith.select %eq3A_659, %jit3A_660, %jit3A_657 : i32
      %rem3A_662 = arith.remsi %add3A_477, %select_n3A_661 : i32
      %ne3A_663 = arith.constant 0 : i32
      %ne3A_664 = arith.cmpi ne, %rem3A_662, %ne3A_663 : i32
      %lt3A_665 = arith.constant 0 : i32
      %lt3A_666 = arith.cmpi slt, %rem3A_662, %lt3A_665 : i32
      %lt3A_667 = arith.constant 0 : i32
      %lt3A_668 = arith.cmpi slt, %select_n3A_661, %lt3A_667 : i32
      %ne3A_669 = arith.xori %lt3A_666, %lt3A_668 : i1
      %and3A_670 = arith.andi %ne3A_669, %ne3A_664 : i1
      %add3A_671 = arith.addi %rem3A_662, %select_n3A_661 : i32
      %select_n3A_672 = arith.select %and3A_670, %add3A_671, %rem3A_662 : i32
      %mul3A_673 = arith.constant 16384 : i32
      %mul3A_674 = arith.muli %select_n3A_672, %mul3A_673 : i32
      %add3A_675 = arith.addi %mul3A_656, %mul3A_674 : i32
      %dma_start3A_676 = arith.constant 0 : i32
      %dma_start3A_677 = tpu.memref_slice %arg10[%dma_start3A_676] : memref<32768xf32, #tpu.memory_space<vmem>> -> memref<16384xf32, #tpu.memory_space<vmem>>
      %dma_start3A_678 = tpu.memref_slice %arg4[%add3A_675] : memref<52428800xf32, #tpu.memory_space<hbm>> -> memref<16384xf32, #tpu.memory_space<hbm>>
      %dma_start3A_679 = tpu.memref_slice %arg4[%add3A_675] : memref<52428800xf32, #tpu.memory_space<hbm>> -> memref<16384xf32, #tpu.memory_space<hbm>>
      %dma_start3A_680 = arith.constant 0 : i32
      %dma_start3A_681 = tpu.memref_slice %arg10[%dma_start3A_680] : memref<32768xf32, #tpu.memory_space<vmem>> -> memref<16384xf32, #tpu.memory_space<vmem>>
      tpu.enqueue_dma source(%dma_start3A_681 : memref<16384xf32, #tpu.memory_space<vmem>>) target(%dma_start3A_679 : memref<16384xf32, #tpu.memory_space<hbm>>) target_semaphore(%arg14 : memref<!tpu.dma_semaphore, #tpu.memory_space<semaphore_mem>>)
      %add3A_682 = arith.constant 131072 : i32
      %add3A_683 = arith.addi %add3A_675, %add3A_682 : i32
      %dma_start3A_684 = arith.constant 16384 : i32
      %dma_start3A_685 = tpu.memref_slice %arg10[%dma_start3A_684] : memref<32768xf32, #tpu.memory_space<vmem>> -> memref<16384xf32, #tpu.memory_space<vmem>>
      %dma_start3A_686 = tpu.memref_slice %arg4[%add3A_683] : memref<52428800xf32, #tpu.memory_space<hbm>> -> memref<16384xf32, #tpu.memory_space<hbm>>
      %dma_start3A_687 = tpu.memref_slice %arg4[%add3A_683] : memref<52428800xf32, #tpu.memory_space<hbm>> -> memref<16384xf32, #tpu.memory_space<hbm>>
      %dma_start3A_688 = arith.constant 16384 : i32
      %dma_start3A_689 = tpu.memref_slice %arg10[%dma_start3A_688] : memref<32768xf32, #tpu.memory_space<vmem>> -> memref<16384xf32, #tpu.memory_space<vmem>>
      tpu.enqueue_dma source(%dma_start3A_689 : memref<16384xf32, #tpu.memory_space<vmem>>) target(%dma_start3A_687 : memref<16384xf32, #tpu.memory_space<hbm>>) target_semaphore(%arg14 : memref<!tpu.dma_semaphore, #tpu.memory_space<semaphore_mem>>)
    }
    %scan3A_360 = arith.constant 25 : i32
    %jit3A = arith.constant 8 : i32
    %div3A = arith.divsi %mul3A_2, %jit3A : i32
    %sign3A = arith.constant 0 : i32
    %sign3A_361 = arith.cmpi sgt, %mul3A_2, %sign3A : i32
    %sign3A_362 = arith.extui %sign3A_361 : i1 to i32
    %sign3A_363 = arith.constant 0 : i32
    %sign3A_364 = arith.cmpi slt, %mul3A_2, %sign3A_363 : i32
    %sign3A_365 = arith.extui %sign3A_364 : i1 to i32
    %sign3A_366 = arith.subi %sign3A_362, %sign3A_365 : i32
    %sign3A_367 = arith.constant 0 : i32
    %sign3A_368 = arith.cmpi sgt, %jit3A, %sign3A_367 : i32
    %sign3A_369 = arith.extui %sign3A_368 : i1 to i32
    %sign3A_370 = arith.constant 0 : i32
    %sign3A_371 = arith.cmpi slt, %jit3A, %sign3A_370 : i32
    %sign3A_372 = arith.extui %sign3A_371 : i1 to i32
    %sign3A_373 = arith.subi %sign3A_369, %sign3A_372 : i32
    %ne3A = arith.cmpi ne, %sign3A_366, %sign3A_373 : i32
    %rem3A = arith.remsi %mul3A_2, %jit3A : i32
    %ne3A_374 = arith.constant 0 : i32
    %ne3A_375 = arith.cmpi ne, %rem3A, %ne3A_374 : i32
    %and3A_376 = arith.andi %ne3A, %ne3A_375 : i1
    %sub3A = arith.constant 1 : i32
    %sub3A_377 = arith.subi %div3A, %sub3A : i32
    %select_n3A = arith.select %and3A_376, %sub3A_377, %div3A : i32
    %mul3A_378 = arith.constant 262144 : i32
    %mul3A_379 = arith.muli %select_n3A, %mul3A_378 : i32
    %jit3A_380 = arith.constant 8 : i32
    %eq3A = arith.constant 0 : i32
    %eq3A_381 = arith.cmpi eq, %jit3A_380, %eq3A : i32
    %jit3A_382 = arith.constant 1 : i32
    %select_n3A_383 = arith.select %eq3A_381, %jit3A_382, %jit3A_380 : i32
    %rem3A_384 = arith.remsi %mul3A_2, %select_n3A_383 : i32
    %ne3A_385 = arith.constant 0 : i32
    %ne3A_386 = arith.cmpi ne, %rem3A_384, %ne3A_385 : i32
    %lt3A = arith.constant 0 : i32
    %lt3A_387 = arith.cmpi slt, %rem3A_384, %lt3A : i32
    %lt3A_388 = arith.constant 0 : i32
    %lt3A_389 = arith.cmpi slt, %select_n3A_383, %lt3A_388 : i32
    %ne3A_390 = arith.xori %lt3A_387, %lt3A_389 : i1
    %and3A_391 = arith.andi %ne3A_390, %ne3A_386 : i1
    %add3A_392 = arith.addi %rem3A_384, %select_n3A_383 : i32
    %select_n3A_393 = arith.select %and3A_391, %add3A_392, %rem3A_384 : i32
    %mul3A_394 = arith.constant 16384 : i32
    %mul3A_395 = arith.muli %select_n3A_393, %mul3A_394 : i32
    %add3A_396 = arith.addi %mul3A_379, %mul3A_395 : i32
    %dma_wait3A_397 = arith.constant 0 : i32
    %dma_wait3A_398 = tpu.memref_slice %arg9[%dma_wait3A_397] : memref<32768xf32, #tpu.memory_space<vmem>> -> memref<16384xf32, #tpu.memory_space<vmem>>
    %dma_wait3A_399 = tpu.memref_slice %arg4[%add3A_396] : memref<52428800xf32, #tpu.memory_space<hbm>> -> memref<16384xf32, #tpu.memory_space<hbm>>
    %dma_wait3A_400 = tpu.memref_slice %arg4[%add3A_396] : memref<52428800xf32, #tpu.memory_space<hbm>> -> memref<16384xf32, #tpu.memory_space<hbm>>
    %dma_wait3A_401 = arith.constant 0 : i32
    %dma_wait3A_402 = tpu.memref_slice %arg9[%dma_wait3A_401] : memref<32768xf32, #tpu.memory_space<vmem>> -> memref<16384xf32, #tpu.memory_space<vmem>>
    tpu.wait_dma2 semaphore(%arg13 : memref<!tpu.dma_semaphore, #tpu.memory_space<semaphore_mem>>) src(%dma_wait3A_402 : memref<16384xf32, #tpu.memory_space<vmem>>) dst(%dma_wait3A_400 : memref<16384xf32, #tpu.memory_space<hbm>>)
    %add3A_403 = arith.constant 131072 : i32
    %add3A_404 = arith.addi %add3A_396, %add3A_403 : i32
    %dma_wait3A_405 = arith.constant 16384 : i32
    %dma_wait3A_406 = tpu.memref_slice %arg9[%dma_wait3A_405] : memref<32768xf32, #tpu.memory_space<vmem>> -> memref<16384xf32, #tpu.memory_space<vmem>>
    %dma_wait3A_407 = tpu.memref_slice %arg4[%add3A_404] : memref<52428800xf32, #tpu.memory_space<hbm>> -> memref<16384xf32, #tpu.memory_space<hbm>>
    %dma_wait3A_408 = tpu.memref_slice %arg4[%add3A_404] : memref<52428800xf32, #tpu.memory_space<hbm>> -> memref<16384xf32, #tpu.memory_space<hbm>>
    %dma_wait3A_409 = arith.constant 16384 : i32
    %dma_wait3A_410 = tpu.memref_slice %arg9[%dma_wait3A_409] : memref<32768xf32, #tpu.memory_space<vmem>> -> memref<16384xf32, #tpu.memory_space<vmem>>
    tpu.wait_dma2 semaphore(%arg13 : memref<!tpu.dma_semaphore, #tpu.memory_space<semaphore_mem>>) src(%dma_wait3A_410 : memref<16384xf32, #tpu.memory_space<vmem>>) dst(%dma_wait3A_408 : memref<16384xf32, #tpu.memory_space<hbm>>)
    %add3A_411 = arith.constant 1 : i32
    %add3A_412 = arith.addi %mul3A_2, %add3A_411 : i32
    %jit3A_413 = arith.constant 8 : i32
    %div3A_414 = arith.divsi %add3A_412, %jit3A_413 : i32
    %sign3A_415 = arith.constant 0 : i32
    %sign3A_416 = arith.cmpi sgt, %add3A_412, %sign3A_415 : i32
    %sign3A_417 = arith.extui %sign3A_416 : i1 to i32
    %sign3A_418 = arith.constant 0 : i32
    %sign3A_419 = arith.cmpi slt, %add3A_412, %sign3A_418 : i32
    %sign3A_420 = arith.extui %sign3A_419 : i1 to i32
    %sign3A_421 = arith.subi %sign3A_417, %sign3A_420 : i32
    %sign3A_422 = arith.constant 0 : i32
    %sign3A_423 = arith.cmpi sgt, %jit3A_413, %sign3A_422 : i32
    %sign3A_424 = arith.extui %sign3A_423 : i1 to i32
    %sign3A_425 = arith.constant 0 : i32
    %sign3A_426 = arith.cmpi slt, %jit3A_413, %sign3A_425 : i32
    %sign3A_427 = arith.extui %sign3A_426 : i1 to i32
    %sign3A_428 = arith.subi %sign3A_424, %sign3A_427 : i32
    %ne3A_429 = arith.cmpi ne, %sign3A_421, %sign3A_428 : i32
    %rem3A_430 = arith.remsi %add3A_412, %jit3A_413 : i32
    %ne3A_431 = arith.constant 0 : i32
    %ne3A_432 = arith.cmpi ne, %rem3A_430, %ne3A_431 : i32
    %and3A_433 = arith.andi %ne3A_429, %ne3A_432 : i1
    %sub3A_434 = arith.constant 1 : i32
    %sub3A_435 = arith.subi %div3A_414, %sub3A_434 : i32
    %select_n3A_436 = arith.select %and3A_433, %sub3A_435, %div3A_414 : i32
    %mul3A_437 = arith.constant 262144 : i32
    %mul3A_438 = arith.muli %select_n3A_436, %mul3A_437 : i32
    %jit3A_439 = arith.constant 8 : i32
    %eq3A_440 = arith.constant 0 : i32
    %eq3A_441 = arith.cmpi eq, %jit3A_439, %eq3A_440 : i32
    %jit3A_442 = arith.constant 1 : i32
    %select_n3A_443 = arith.select %eq3A_441, %jit3A_442, %jit3A_439 : i32
    %rem3A_444 = arith.remsi %add3A_412, %select_n3A_443 : i32
    %ne3A_445 = arith.constant 0 : i32
    %ne3A_446 = arith.cmpi ne, %rem3A_444, %ne3A_445 : i32
    %lt3A_447 = arith.constant 0 : i32
    %lt3A_448 = arith.cmpi slt, %rem3A_444, %lt3A_447 : i32
    %lt3A_449 = arith.constant 0 : i32
    %lt3A_450 = arith.cmpi slt, %select_n3A_443, %lt3A_449 : i32
    %ne3A_451 = arith.xori %lt3A_448, %lt3A_450 : i1
    %and3A_452 = arith.andi %ne3A_451, %ne3A_446 : i1
    %add3A_453 = arith.addi %rem3A_444, %select_n3A_443 : i32
    %select_n3A_454 = arith.select %and3A_452, %add3A_453, %rem3A_444 : i32
    %mul3A_455 = arith.constant 16384 : i32
    %mul3A_456 = arith.muli %select_n3A_454, %mul3A_455 : i32
    %add3A_457 = arith.addi %mul3A_438, %mul3A_456 : i32
    %dma_wait3A_458 = arith.constant 0 : i32
    %dma_wait3A_459 = tpu.memref_slice %arg10[%dma_wait3A_458] : memref<32768xf32, #tpu.memory_space<vmem>> -> memref<16384xf32, #tpu.memory_space<vmem>>
    %dma_wait3A_460 = tpu.memref_slice %arg4[%add3A_457] : memref<52428800xf32, #tpu.memory_space<hbm>> -> memref<16384xf32, #tpu.memory_space<hbm>>
    %dma_wait3A_461 = tpu.memref_slice %arg4[%add3A_457] : memref<52428800xf32, #tpu.memory_space<hbm>> -> memref<16384xf32, #tpu.memory_space<hbm>>
    %dma_wait3A_462 = arith.constant 0 : i32
    %dma_wait3A_463 = tpu.memref_slice %arg10[%dma_wait3A_462] : memref<32768xf32, #tpu.memory_space<vmem>> -> memref<16384xf32, #tpu.memory_space<vmem>>
    tpu.wait_dma2 semaphore(%arg14 : memref<!tpu.dma_semaphore, #tpu.memory_space<semaphore_mem>>) src(%dma_wait3A_463 : memref<16384xf32, #tpu.memory_space<vmem>>) dst(%dma_wait3A_461 : memref<16384xf32, #tpu.memory_space<hbm>>)
    %add3A_464 = arith.constant 131072 : i32
    %add3A_465 = arith.addi %add3A_457, %add3A_464 : i32
    %dma_wait3A_466 = arith.constant 16384 : i32
    %dma_wait3A_467 = tpu.memref_slice %arg10[%dma_wait3A_466] : memref<32768xf32, #tpu.memory_space<vmem>> -> memref<16384xf32, #tpu.memory_space<vmem>>
    %dma_wait3A_468 = tpu.memref_slice %arg4[%add3A_465] : memref<52428800xf32, #tpu.memory_space<hbm>> -> memref<16384xf32, #tpu.memory_space<hbm>>
    %dma_wait3A_469 = tpu.memref_slice %arg4[%add3A_465] : memref<52428800xf32, #tpu.memory_space<hbm>> -> memref<16384xf32, #tpu.memory_space<hbm>>
    %dma_wait3A_470 = arith.constant 16384 : i32
    %dma_wait3A_471 = tpu.memref_slice %arg10[%dma_wait3A_470] : memref<32768xf32, #tpu.memory_space<vmem>> -> memref<16384xf32, #tpu.memory_space<vmem>>
    tpu.wait_dma2 semaphore(%arg14 : memref<!tpu.dma_semaphore, #tpu.memory_space<semaphore_mem>>) src(%dma_wait3A_471 : memref<16384xf32, #tpu.memory_space<vmem>>) dst(%dma_wait3A_469 : memref<16384xf32, #tpu.memory_space<hbm>>)
    return
  }
}

</mosaic_0001>

<sc_bundles>
// kernel: kernel.3.cloned.1.call-start
scs
__scs_entry_jumppad:
0x0: {  	(pc) =	sbr.rel $0x88, $3  }
0x1: {  	(tag) =	ssettag $0x0;
	lr =	simm.s32 $0x1  }
0x2: {  	[smem:$0x3F9F] =	sst lr;
	_ =	strace $0xD0000000  }
0x3: {  	_ = 	snop  }
0x4: {  	_ = 	snop  }
0x5: {  	_ = 	snop  }
0x6: {  	_ = 	snop  }
0x7: {  	_ = 	snop  }
__scs_overlays_trampoline_lowered:
0x8: {  	[smem:$0x3FAE] =	sst s0  }
0x9: {  	[smem:$0x3FAF] =	sst s1  }
0xa: {  	[smem:$0x3FB0] =	sst s2  }
0xb: {  	[smem:$0x3FB1] =	sst s3  }
0xc: {  	[smem:$0x3FB2] =	sst s4  }
0xd: {  	[smem:$0x3FB3] =	sst s5  }
0xe: {  	[smem:$0x3FB4] =	sst s6  }
0xf: {  	[smem:$0x3FB5] =	sst s7  }
0x10: {  	[smem:$0x3FB6] =	sst s8  }
0x11: {  	[smem:$0x3FB7] =	sst s9;
	s0 =	simm.s32 @!p0 $0x0  }
0x12: {  	s1 =	sld [smem:$0x3F9D];
	s0 =	simm.s32 @p0 $0x1  }
0x13: {  	[smem:$0x3FB8] =	sst s0;
	s0 =	simm.s32 @!p1 $0x0  }
0x14: {  	s2 =	sld [smem:$0x3F9C];
	s0 =	simm.s32 @p1 $0x1  }
0x15: {  	[smem:$0x3FB9] =	sst s0;
	s0 =	simm.s32 @!p2 $0x0  }
0x16: {  	s3 =	sld [smem:$0x3FDB];
	s0 =	simm.s32 @p2 $0x1  }
0x17: {  	s4 =	simm.s32 $0x1BF5;
	[smem:$0x3FBB] =	sst s0  }
0x18: {  	s0 =	sld [smem:$0x3F9E];
	_ =	swait.ge [sflag:s4], $0x0  }
0x19: {  	s7 =	sld [smem:$0x3F9F]  }
0x1a: {  	s8 =	sadd.s32 $0xFFFFE003, lr  }
0x1b: {  	s9 =	sadd.s32 $0xFFFFFEF7, lr;
	s5 =	simm.s32 $0xFFFFFFFF;
	p2 =	slt.u32 s8, $0xFFFFF086  }
0x1c: {  	p1 =	slt.u32 s9, $0xF7A;
	s5 =	simm.s32 @!p2 $0x0  }
0x1d: {  	s5 =	simm.s32 @p1 $0x1;
	p0 =	seq.s32 s7, s2  }
0x1e: {  	s7 =	smul.u32 @!p0 $0xF7A, s2;
	p2 =	seq.s32 @!p0 s5, $0x0  }
0x1f: {  	s9 =	smul.u32 $0xF7A, s1;
	s8 =	simm.s32 @!p0 $0x1BF5;
	p2 =	por !p2, p0  }
0x20: {  	[sflag:s8] =	ssyncset.s32 @!p0 $0xFFFFF086;
	s6 =	sadd.s32 @!p0 s3, s7;
	s7 =	simm.s32 @!p0 $0x108  }
0x21: {  	s3 =	sadd.s32 s3, s9;
	s6 =	sadd.s32 @!p0 $0x88, s6;
	s7 =	simm.s32 @p2 $0x1082  }
0x22: {  	[simem:s7], [sflag:s8] =	dma.local @!p0 [hbm:s6], $0xF7A  }
0x23: {  	s9 =	sor.u32 $0xD0000000, s2;
	s6 =	simm.s32 $0x108;
	_ =	swait.ge @!p0 [sflag:s8], $0x0  }
0x24: {  	s3 =	sadd.s32 $0x88, s3;
	s6 =	simm.s32 @!p1 $0x1082;
	[sflag:s4] =	ssyncset.s32 $0xFFFFF086  }
0x25: {  	[simem:s6], [sflag:s4] =	dma.local [hbm:s3], $0xF7A  }
0x26: {  	[smem:$0x3F9F] =	sst s1;
	(tag) =	ssettag s2;
	_ =	strace s9  }
0x27: {  	s1 =	sld [smem:$0x3FAF]  }
0x28: {  	s2 =	sld [smem:$0x3FB0]  }
0x29: {  	s4 =	sld [smem:$0x3FB2]  }
0x2a: {  	p0 =	seq.s32 s5, $0x0;
	s5 =	sld [smem:$0x3FB3]  }
0x2b: {  	s6 =	sld [smem:$0x3FB4]  }
0x2c: {  	s7 =	sld [smem:$0x3FB5]  }
0x2d: {  	s3 =	simm.s32 $0x108;
	s8 =	sld [smem:$0x3FB6]  }
0x2e: {  	s3 =	simm.s32 @!p0 $0x1082;
	s9 =	sld [smem:$0x3FB7]  }
0x2f: {  	lr =	sadd.s32 s0, s3;
	s0 =	sld [smem:$0x3FAE]  }
0x30: {  	s3 =	sld [smem:$0x3FB1]  }
0x31: {  	[smem:$0x3FBA] =	sst s10  }
0x32: {  	s10 =	sld [smem:$0x3FB8];
	_ =	sdelay $0x3  }
0x33: {  	p0 =	seq.s32 s10, $0x1;
	s10 =	sld [smem:$0x3FBA];
	_ =	sdelay $0x3  }
0x34: {  	[smem:$0x3FBA] =	sst s10  }
0x35: {  	s10 =	sld [smem:$0x3FB9];
	_ =	sdelay $0x3  }
0x36: {  	p1 =	seq.s32 s10, $0x1;
	s10 =	sld [smem:$0x3FBA];
	_ =	sdelay $0x3  }
0x37: {  	[smem:$0x3FBA] =	sst s10  }
0x38: {  	s10 =	sld [smem:$0x3FBB]  }
0x39: {  	_ = 	snop;
	(pc) =	sbr.ind lr, $3  }
0x3a: {  	_ = 	snop  }
0x3b: {  	_ = 	snop  }
0x3c: {  	p2 =	seq.s32 s10, $0x1;
	s10 =	sld [smem:$0x3FBA]  }
0x3d: {  	_ =	shalt  }
0x3e: {  	_ =	shalt  }
0x3f: {  	_ =	shalt  }
0x40: {  	_ =	shalt  }
0x41: {  	_ =	shalt  }
0x42: {  	_ =	shalt  }
0x43: {  	_ =	shalt  }
0x44: {  	_ =	shalt  }
0x45: {  	_ =	shalt  }
0x46: {  	_ =	shalt  }
0x47: {  	_ =	shalt  }
0x48: {  	_ =	shalt  }
0x49: {  	_ =	shalt  }
0x4a: {  	_ =	shalt  }
0x4b: {  	_ =	shalt  }
0x4c: {  	_ =	shalt  }
0x4d: {  	_ =	shalt  }
0x4e: {  	_ =	shalt  }
0x4f: {  	_ =	shalt  }
0x50: {  	_ =	shalt  }
0x51: {  	_ =	shalt  }
0x52: {  	_ =	shalt  }
0x53: {  	_ =	shalt  }
0x54: {  	_ =	shalt  }
0x55: {  	_ =	shalt  }
0x56: {  	_ =	shalt  }
0x57: {  	_ =	shalt  }
0x58: {  	_ =	shalt  }
0x59: {  	_ =	shalt  }
0x5a: {  	_ =	shalt  }
0x5b: {  	_ =	shalt  }
0x5c: {  	_ =	shalt  }
0x5d: {  	_ =	shalt  }
0x5e: {  	_ =	shalt  }
0x5f: {  	_ =	shalt  }
0x60: {  	_ =	shalt  }
0x61: {  	_ =	shalt  }
0x62: {  	_ =	shalt  }
0x63: {  	_ =	shalt  }
0x64: {  	_ =	shalt  }
0x65: {  	_ =	shalt  }
0x66: {  	_ =	shalt  }
0x67: {  	_ =	shalt  }
0x68: {  	_ =	shalt  }
0x69: {  	_ =	shalt  }
0x6a: {  	_ =	shalt  }
0x6b: {  	_ =	shalt  }
0x6c: {  	_ =	shalt  }
0x6d: {  	_ =	shalt  }
0x6e: {  	_ =	shalt  }
0x6f: {  	_ =	shalt  }
0x70: {  	_ =	shalt  }
0x71: {  	_ =	shalt  }
0x72: {  	_ =	shalt  }
0x73: {  	_ =	shalt  }
0x74: {  	_ =	shalt  }
0x75: {  	_ =	shalt  }
0x76: {  	_ =	shalt  }
0x77: {  	_ =	shalt  }
0x78: {  	_ =	shalt  }
0x79: {  	_ =	shalt  }
0x7a: {  	_ =	shalt  }
0x7b: {  	_ =	shalt  }
0x7c: {  	_ =	shalt  }
0x7d: {  	_ =	shalt  }
0x7e: {  	_ =	shalt  }
0x7f: {  	_ =	shalt  }
0x80: {  	_ =	shalt  }
0x81: {  	_ =	shalt  }
0x82: {  	_ =	shalt  }
0x83: {  	_ =	shalt  }
0x84: {  	_ =	shalt  }
0x85: {  	_ =	shalt  }
0x86: {  	_ =	shalt  }
0x87: {  	_ =	shalt  }
.Lfunc_end0:
.L_simem_size_0:
called_computation_lowered:
.L_overlay_start_0:
0x88: {  	s2 =	sld [smem:$0x3FD9]  }
0x89: {  	s3 =	sld [smem:$0x3FFE];
	_ =	sdelay $0x1  }
0x8a: {  	s1 =	srdreg.scid  }
0x8b: {  	s0 =	sand.u32 $0x1, s1  }
0x8c: {  	s17 =	sshll.u32 s0, $0xA;
	s2 =	sadd.s32 s3, s2  }
0x8d: {  	s2 =	sadd.s32 s2, s17  }
0x8e: {  	[smem:$0x3FC6] =	sst s2  }
0x8f: {  	_ = 	snop  }
0x90: {  	s2 =	sld [smem:$0x3FD0];
	(tm) =	ssettm $0x1  }
0x91: {  	s18 =	sld [smem:$0x3FFB];
	_ =	sdelay $0x3  }
0x92: {  	_ =	strace s18  }
0x93: {  	s3 =	sld [smem:$0x3FFC];
	_ =	sdelay $0x3  }
0x94: {  	_ =	strace s3  }
0x95: {  	s3 =	sld [smem:$0x3FFD];
	_ =	sdelay $0x3  }
0x96: {  	_ =	strace s3  }
0x97: {  	_ =	strace $0x8FFFFFFF  }
0x98: {  	s19 =	sld [smem:$0x3FDB];
	_ =	sdelay $0x1  }
0x99: {  	s4 =	simm.s32 $_scs_section_size  }
0x9a: {  	s5 =	simm.s32 $_size__tile_overlayer_lowered;
	s6 =	simm.s32 $_tile_overlayer_lowered  }
0x9b: {  	s22 =	simm.s32 $0x1BFF;
	s21 =	sshll.u32 s6, $0x1;
	s3 =	sadd.s32 s4, s19  }
0x9c: {  	s7 =	simm.s32 $0x0;
	s20 =	sshll.u32 s5, $0x1;
	s5 =	sadd.s32 s21, s3  }
0x9d: {  	[timem:s7], [sflag:s22] =	dma.local [hbm:s5], s20  }
0x9e: {  	_ =	swait.ge [sflag:s22], s20  }
0x9f: {  	s4 =	ssub.s32 $0x0, s20;
	[sflag:s22] =	ssyncset.done $0x0  }
0xa0: {  	[sflag:s22] =	ssyncadd.s32 s4;
	_ =	sdelay $0x1  }
0xa1: {  	s23 =	simm.s32 $0x1B8B  }
0xa2: {  	_ =	swait.ge [sflag:s23], $0x1  }
0xa3: {  	[sflag:s23] =	ssyncset.done $0x0  }
0xa4: {  	s25 =	simm.s32 $0x1B8E;
	s24 =	sld [smem:$0x3FFE];
	[sflag:s23] =	ssyncadd.s32 $0xFFFFFFFF  }
0xa5: {  	s26 =	simm.s32 $execute0_lowered;
	[smem:$0x3FD2] =	sst s25  }
0xa6: {  	s5 =	sshll.u32 s26, $0x1;
	_ =	strace $0x80000046;
	[dreg:$0x1] =	wrdreg $0xFFFFFFFF  }
0xa7: {  	s28 =	simm.s32 $_size_execute0_lowered;
	s3 =	sadd.s32 s3, s5;
	[dreg:$0x0] =	wrdreg $0x0  }
0xa8: {  	s5 =	sshll.u32 s28, $0x1;
	[dreg:$0x2] =	wrdreg s3  }
0xa9: {  	[dreg:$0x3] =	wrdreg s5  }
0xaa: {  	[dreg:$0x4] =	wrdreg $0xC0  }
0xab: {  	_ =	task [dreg:s7], $0x5FFFF  }
0xac: {  	[dreg:$0x1] =	wrdreg $0xFFFFFFFF  }
0xad: {  	[dreg:$0x0] =	wrdreg $0x60  }
0xae: {  	[dreg:$0x2] =	wrdreg s24  }
0xaf: {  	[dreg:$0x3] =	wrdreg s2  }
0xb0: {  	[dreg:$0x4] =	wrdreg $0x9  }
0xb1: {  	_ =	task.clear_ibuf [dreg:s7], $0x5FFFF;
	_ =	strace $0x90000046  }
0xb2: {  	s29 =	simm.s32 $0x9;
	_ =	strace $0x80000048  }
0xb3: {  	_ =	swait.ge [sflag:s29], $0x1  }
0xb4: {  	[sflag:s29] =	ssyncadd.s32 $0xFFFFFFFF  }
0xb5: {  	_ =	strace $0x90000048  }
0xb6: {  	_ =	sfence  }
0xb7: {  	s30 =	sld [smem:$0x0];
	_ =	sdelay $0x2  }
0xb8: {  	s31 =	sshll.u32 s1, $0xD;
	s1 =	sshrl.u32 s1, $0x2  }
0xb9: {  	s3 =	sand.u32 $0x4000, s31;
	s1 =	sadd.s32 s1, s30  }
0xba: {  	s0 =	sor.u32 s3, s0;
	s1 =	sshll.u32 s1, $0x11  }
0xbb: {  	s0 =	sor.u32 s1, s0  }
0xbc: {  	s0 =	sadd.s32 $0x8F2B, s0  }
0xbd: {  	[sflag:s0] =	ssyncadd.remote.s32 $0x1  }
0xbe: {  	_ =	sfence.sel $0xFFFF  }
0xbf: {  	[dreg:$0x0] =	wrdreg $0xFFFFFFFF;
	(pc) =	sbr.abs _section_cstart, $3  }
0xc0: {  	[dreg:$0x1] =	wrdreg $0xFFFFFFFF  }
0xc1: {  	_ =	task.clear_ibuf [dreg:s7], $0x2FFFF;
	_ =	strace $0x9FFFFFFF  }
0xc2: {  	(tm) =	ssettm $0x7FFFFFFF  }
0xc3: {  	_ =	shalt  }
tec
execute0_lowered:
.L_overlay_start_1:
0x0: {  	(tag) =	ssettag $0x1  }
0x1: {  	v0 =	vimm.s32 $0xFEDCBA9;
	v1 =	vimm.s32 $0x87654321;
	v2 =	vimm.s32 $0x10FEDCBA  }
0x2: {  	v3 =	vimm.s32 $0x98765432;
	v4 =	vimm.s32 $0x210FEDCB;
	v5 =	vimm.s32 $0xA9876543  }
0x3: {  	v6 =	vimm.s32 $0xBA987654;
	v7 =	vimm.s32 $0x543210FE;
	v8 =	vimm.s32 $0xDCBA9876  }
0x4: {  	v9 =	vimm.s32 $0x6543210F;
	v18 =	vimm.s32 $0xEDCBA987;
	v24 =	vimm.s32 $0x76543210  }
0x5: {  	vm14 =	vcmask $0x300;
	vm13 =	vcmask $0x704;
	vm12 =	vcmask $0xB08  }
0x6: {  	vm11 =	vcmask $0xF0C;
	vm10 =	vcmask $0x1310;
	vm9 =	vcmask $0x1714  }
0x7: {  	vm8 =	vcmask $0x1B18;
	vm7 =	vcmask $0x1F1C;
	vm6 =	vcmask $0x2320  }
0x8: {  	vm5 =	vcmask $0x2724;
	vm4 =	vcmask $0x2B28;
	vm2 =	vcmask $0x2F2C  }
0x9: {  	vm3 =	vcmask $0x3330;
	vm1 =	vcmask $0x3734;
	vm0 =	vcmask $0x3B38  }
0xa: {  	v26 =	vimm.s32 $0x400F;
	v27 =	vimm.s32 $0x408F;
	v28 =	vimm.s32 $0x410F  }
0xb: {  	v29 =	vimm.s32 $0x418F;
	v30 =	vimm.s32 $0x420F;
	v31 =	vimm.s32 $0x428F  }
0xc: {  	v32 =	vimm.s32 $0x430F;
	v0 =	vunpack.c.l.s4.s8 v0;
	v1 =	vunpack.c.l.s4.s8 v1  }
0xd: {  	v2 =	vunpack.c.l.s4.s8 v2;
	v3 =	vunpack.c.l.s4.s8 v3;
	v6 =	vunpack.c.l.s4.s8 v6  }
0xe: {  	v7 =	vunpack.c.l.s4.s8 v7;
	v8 =	vunpack.c.l.s4.s8 v8;
	v24 =	vunpack.c.l.s4.s8 v24  }
0xf: {  	v26 =	vsel vm14, $0x4080, v26;
	v27 =	vsel vm14, $0x4100, v27;
	v28 =	vsel vm14, $0x4180, v28  }
0x10: {  	v29 =	vsel vm14, $0x4200, v29;
	v30 =	vsel vm14, $0x4280, v30;
	v31 =	vsel vm14, $0x4300, v31  }
0x11: {  	v32 =	vsel vm14, $0x4380, v32;
	v26 =	vsel vm13, $0x4101, v26;
	v27 =	vsel vm13, $0x4181, v27  }
0x12: {  	v28 =	vsel vm13, $0x4201, v28;
	v29 =	vsel vm13, $0x4281, v29;
	v30 =	vsel vm13, $0x4301, v30  }
0x13: {  	v31 =	vsel vm13, $0x4381, v31;
	v32 =	vsel vm13, $0x1, v32;
	v10 =	vunpack.c.0.s8.s32 v0  }
0x14: {  	v0 =	vunpack.c.l.s4.s8 v4;
	v4 =	vunpack.c.l.s4.s8 v5;
	v11 =	vunpack.c.0.s8.s32 v1  }
0x15: {  	v12 =	vunpack.c.0.s8.s32 v2;
	v13 =	vunpack.c.0.s8.s32 v3;
	v5 =	vimm.s32 $0x3210FEDC  }
0x16: {  	v17 =	vunpack.c.0.s8.s32 v6;
	v6 =	vimm.s32 $0xCBA98765;
	v20 =	vunpack.c.0.s8.s32 v7  }
0x17: {  	v21 =	vunpack.c.0.s8.s32 v8;
	v24 =	vunpack.c.0.s8.s32 v24;
	v26 =	vsel vm12, $0x4182, v26  }
0x18: {  	v27 =	vsel vm12, $0x4202, v27;
	v28 =	vsel vm12, $0x4282, v28;
	v29 =	vsel vm12, $0x4302, v29  }
0x19: {  	v30 =	vsel vm12, $0x4382, v30;
	v31 =	vsel vm12, $0x2, v31;
	v32 =	vsel vm12, $0x82, v32  }
0x1a: {  	v5 =	vunpack.c.l.s4.s8 v5;
	v6 =	vunpack.c.l.s4.s8 v6;
	v26 =	vsel vm11, $0x4203, v26  }
0x1b: {  	v27 =	vsel vm11, $0x4283, v27;
	v28 =	vsel vm11, $0x4303, v28;
	v29 =	vsel vm11, $0x4383, v29  }
0x1c: {  	v30 =	vsel vm11, $0x3, v30;
	v31 =	vsel vm11, $0x83, v31;
	v32 =	vsel vm11, $0x103, v32  }
0x1d: {  	v14 =	vunpack.c.0.s8.s32 v0;
	v15 =	vunpack.c.0.s8.s32 v4;
	v2 =	vcombine.low v11, v10  }
0x1e: {  	v0 =	vlaneseq.u32;
	v3 =	vcombine.low v13, v12;
	v8 =	vcombine.low v21, v20  }
0x1f: {  	v10 =	vcombine.low v10, v11;
	v12 =	vcombine.low v12, v13;
	v26 =	vsel vm10, $0x4284, v26  }
0x20: {  	v27 =	vsel vm10, $0x4304, v27;
	v28 =	vsel vm10, $0x4384, v28;
	v29 =	vsel vm10, $0x4, v29  }
0x21: {  	v30 =	vsel vm10, $0x84, v30;
	v31 =	vsel vm10, $0x104, v31;
	v32 =	vsel vm10, $0x184, v32  }
0x22: {  	v1 =	vmul.u32 $0x10, v0;
	v16 =	vunpack.c.0.s8.s32 v5;
	v5 =	vimm.s32 $0x43210FED  }
0x23: {  	v26 =	vsel vm9, $0x4305, v26;
	v27 =	vsel vm9, $0x4385, v27;
	v28 =	vsel vm9, $0x5, v28  }
0x24: {  	v29 =	vsel vm9, $0x85, v29;
	v30 =	vsel vm9, $0x105, v30;
	v31 =	vsel vm9, $0x185, v31  }
0x25: {  	v32 =	vsel vm9, $0x205, v32;
	v4 =	vcombine.low v15, v14;
	v2 =	vand.u32 $0xF, v2  }
0x26: {  	v3 =	vand.u32 $0xF, v3;
	v5 =	vunpack.c.l.s4.s8 v5;
	v10 =	vand.u32 $0xF, v10  }
0x27: {  	v26 =	vsel vm8, $0x4386, v26;
	v27 =	vsel vm8, $0x6, v27;
	v28 =	vsel vm8, $0x86, v28  }
0x28: {  	v29 =	vsel vm8, $0x106, v29;
	v30 =	vsel vm8, $0x186, v30;
	v31 =	vsel vm8, $0x206, v31  }
0x29: {  	v32 =	vsel vm8, $0x286, v32;
	v26 =	vsel vm7, $0x7, v26;
	v27 =	vsel vm7, $0x87, v27  }
0x2a: {  	v28 =	vsel vm7, $0x107, v28;
	v29 =	vsel vm7, $0x187, v29;
	v30 =	vsel vm7, $0x207, v30  }
0x2b: {  	v31 =	vsel vm7, $0x287, v31;
	v32 =	vsel vm7, $0x307, v32;
	v4 =	vand.u32 $0xF, v4  }
0x2c: {  	v19 =	vunpack.c.0.s8.s32 v5;
	v5 =	vunpack.c.l.s4.s8 v9;
	v9 =	vunpack.c.l.s4.s8 v18  }
0x2d: {  	v18 =	vunpack.c.0.s8.s32 v6;
	v6 =	vcombine.low v17, v16;
	v26 =	vsel vm6, $0x88, v26  }
0x2e: {  	v27 =	vsel vm6, $0x108, v27;
	v28 =	vsel vm6, $0x188, v28;
	v29 =	vsel vm6, $0x208, v29  }
0x2f: {  	v30 =	vsel vm6, $0x288, v30;
	v31 =	vsel vm6, $0x308, v31;
	v32 =	vsel vm6, $0x388, v32  }
0x30: {  	v26 =	vsel vm5, $0x109, v26;
	v27 =	vsel vm5, $0x189, v27;
	v28 =	vsel vm5, $0x209, v28  }
0x31: {  	v29 =	vsel vm5, $0x289, v29;
	v30 =	vsel vm5, $0x309, v30;
	v31 =	vsel vm5, $0x389, v31  }
0x32: {  	v32 =	vsel vm5, $0x4009, v32;
	v22 =	vunpack.c.0.s8.s32 v5;
	v23 =	vunpack.c.0.s8.s32 v9  }
0x33: {  	v7 =	vcombine.low v18, v19;
	v5 =	vimm.s32 $0xFEDCBA98;
	v26 =	vsel vm4, $0x18A, v26  }
0x34: {  	v27 =	vsel vm4, $0x20A, v27;
	v28 =	vsel vm4, $0x28A, v28;
	v29 =	vsel vm4, $0x30A, v29  }
0x35: {  	v30 =	vsel vm4, $0x38A, v30;
	v31 =	vsel vm4, $0x400A, v31;
	v32 =	vsel vm4, $0x408A, v32  }
0x36: {  	v25 =	vunpack.c.l.s4.s8 v5;
	v5 =	vand.u32 $0xF, v6;
	v26 =	vsel vm2, $0x20B, v26  }
0x37: {  	v27 =	vsel vm2, $0x28B, v27;
	v28 =	vsel vm2, $0x30B, v28;
	v29 =	vsel vm2, $0x38B, v29  }
0x38: {  	v30 =	vsel vm2, $0x400B, v30;
	v31 =	vsel vm2, $0x408B, v31;
	v32 =	vsel vm2, $0x410B, v32  }
0x39: {  	v9 =	vcombine.low v23, v22;
	v6 =	vand.u32 $0xF, v7;
	v7 =	vand.u32 $0xF, v8  }
0x3a: {  	v26 =	vsel vm3, $0x28C, v26;
	v27 =	vsel vm3, $0x30C, v27;
	v28 =	vsel vm3, $0x38C, v28  }
0x3b: {  	v29 =	vsel vm3, $0x400C, v29;
	v30 =	vsel vm3, $0x408C, v30;
	v31 =	vsel vm3, $0x410C, v31  }
0x3c: {  	v32 =	vsel vm3, $0x418C, v32;
	v26 =	vsel vm1, $0x30D, v26;
	v27 =	vsel vm1, $0x38D, v27  }
0x3d: {  	v28 =	vsel vm1, $0x400D, v28;
	v29 =	vsel vm1, $0x408D, v29;
	v30 =	vsel vm1, $0x410D, v30  }
0x3e: {  	v31 =	vsel vm1, $0x418D, v31;
	v32 =	vsel vm1, $0x420D, v32;
	v8 =	vand.u32 $0xF, v9  }
0x3f: {  	v9 =	vunpack.c.0.s8.s32 v25;
	v25 =	vimm.s32 $0x438F;
	v26 =	vsel vm0, $0x38E, v26  }
0x40: {  	v27 =	vsel vm0, $0x400E, v27;
	v28 =	vsel vm0, $0x408E, v28;
	v29 =	vsel vm0, $0x410E, v29  }
0x41: {  	v30 =	vsel vm0, $0x418E, v30;
	v25 =	vsel vm14, $0x0, v25;
	v9 =	vand.u32 $0xF, v9  }
0x42: {  	v31 =	vsel vm0, $0x420E, v31;
	v9 =	vcombine.low v9, v24;
	v24 =	vsel vm13, $0x81, v25  }
0x43: {  	v32 =	vsel vm0, $0x428E, v32;
	v25 =	vimm.s32 $0x38F;
	v11 =	vsel vm12, $0x102, v24  }
0x44: {  	v24 =	vimm.s32 $0x30F;
	v25 =	vsel vm14, $0x4000, v25;
	v11 =	vsel vm11, $0x183, v11  }
0x45: {  	v24 =	vsel vm14, $0x380, v24;
	v25 =	vsel vm13, $0x4081, v25;
	v13 =	vsel vm10, $0x204, v11  }
0x46: {  	v11 =	vand.u32 $0xF, v12;
	v24 =	vsel vm13, $0x4001, v24;
	v25 =	vsel vm12, $0x4102, v25  }
0x47: {  	v12 =	vsel vm9, $0x285, v13;
	v13 =	vcombine.low v14, v15;
	v14 =	vcombine.low v16, v17  }
0x48: {  	v16 =	vcombine.low v20, v21;
	v17 =	vcombine.low v22, v23;
	v20 =	vimm.s32 $0x10F  }
0x49: {  	v21 =	vimm.s32 $0x18F;
	v22 =	vimm.s32 $0x20F;
	v23 =	vimm.s32 $0x28F  }
0x4a: {  	v24 =	vsel vm12, $0x4082, v24;
	v25 =	vsel vm11, $0x4183, v25;
	v12 =	vsel vm8, $0x306, v12  }
0x4b: {  	v20 =	vsel vm14, $0x180, v20;
	v21 =	vsel vm14, $0x200, v21;
	v22 =	vsel vm14, $0x280, v22  }
0x4c: {  	v23 =	vsel vm14, $0x300, v23;
	v24 =	vsel vm11, $0x4103, v24;
	v25 =	vsel vm10, $0x4204, v25  }
0x4d: {  	v15 =	vsel vm7, $0x387, v12;
	v12 =	vand.u32 $0xF, v13;
	v13 =	vand.u32 $0xF, v14  }
0x4e: {  	v20 =	vsel vm13, $0x201, v20;
	v21 =	vsel vm13, $0x281, v21;
	v22 =	vsel vm13, $0x301, v22  }
0x4f: {  	v23 =	vsel vm13, $0x381, v23;
	v24 =	vsel vm10, $0x4184, v24;
	v25 =	vsel vm9, $0x4285, v25  }
0x50: {  	v15 =	vsel vm6, $0x4008, v15;
	v20 =	vsel vm12, $0x282, v20;
	v21 =	vsel vm12, $0x302, v21  }
0x51: {  	v22 =	vsel vm12, $0x382, v22;
	v23 =	vsel vm12, $0x4002, v23;
	v24 =	vsel vm9, $0x4205, v24  }
0x52: {  	v25 =	vsel vm8, $0x4306, v25;
	v14 =	vsel vm5, $0x4089, v15;
	v15 =	vcombine.low v19, v18  }
0x53: {  	v19 =	vimm.s32 $0x8F;
	v20 =	vsel vm11, $0x303, v20;
	v21 =	vsel vm11, $0x383, v21  }
0x54: {  	v22 =	vsel vm11, $0x4003, v22;
	v23 =	vsel vm11, $0x4083, v23;
	v24 =	vsel vm8, $0x4286, v24  }
0x55: {  	v25 =	vsel vm7, $0x4387, v25;
	v14 =	vsel vm4, $0x410A, v14;
	v19 =	vsel vm14, $0x100, v19  }
0x56: {  	v20 =	vsel vm10, $0x384, v20;
	v21 =	vsel vm10, $0x4004, v21;
	v22 =	vsel vm10, $0x4084, v22  }
0x57: {  	v23 =	vsel vm10, $0x4104, v23;
	v24 =	vsel vm7, $0x4307, v24;
	v25 =	vsel vm6, $0x8, v25  }
0x58: {  	v14 =	vsel vm2, $0x418B, v14;
	v19 =	vsel vm13, $0x181, v19;
	v20 =	vsel vm9, $0x4005, v20  }
0x59: {  	v21 =	vsel vm9, $0x4085, v21;
	v22 =	vsel vm9, $0x4105, v22;
	v23 =	vsel vm9, $0x4185, v23  }
0x5a: {  	v24 =	vsel vm6, $0x4388, v24;
	v25 =	vsel vm5, $0x89, v25;
	v18 =	vsel vm3, $0x420C, v14  }
0x5b: {  	v14 =	vand.u32 $0xF, v15;
	v15 =	vand.u32 $0xF, v16;
	v16 =	vand.u32 $0xF, v17  }
0x5c: {  	v19 =	vsel vm12, $0x202, v19;
	v20 =	vsel vm8, $0x4086, v20;
	v21 =	vsel vm8, $0x4106, v21  }
0x5d: {  	v22 =	vsel vm8, $0x4186, v22;
	v23 =	vsel vm8, $0x4206, v23;
	v24 =	vsel vm5, $0x9, v24  }
0x5e: {  	v25 =	vsel vm4, $0x10A, v25;
	v18 =	vsel vm1, $0x428D, v18;
	v19 =	vsel vm11, $0x283, v19  }
0x5f: {  	v20 =	vsel vm7, $0x4107, v20;
	v21 =	vsel vm7, $0x4187, v21;
	v22 =	vsel vm7, $0x4207, v22  }
0x60: {  	v23 =	vsel vm7, $0x4287, v23;
	v24 =	vsel vm4, $0x8A, v24;
	v25 =	vsel vm2, $0x18B, v25  }
0x61: {  	v17 =	vsel vm0, $0x430E, v18;
	v18 =	vimm.s32 $0xF;
	v19 =	vsel vm10, $0x304, v19  }
0x62: {  	v20 =	vsel vm6, $0x4188, v20;
	v21 =	vsel vm6, $0x4208, v21;
	v22 =	vsel vm6, $0x4288, v22  }
0x63: {  	v23 =	vsel vm6, $0x4308, v23;
	v24 =	vsel vm2, $0x10B, v24;
	v25 =	vsel vm3, $0x20C, v25  }
0x64: {  	v18 =	vsel vm14, $0x80, v18;
	v19 =	vsel vm9, $0x385, v19;
	v20 =	vsel vm5, $0x4209, v20  }
0x65: {  	v21 =	vsel vm5, $0x4289, v21;
	v22 =	vsel vm5, $0x4309, v22;
	v23 =	vsel vm5, $0x4389, v23  }
0x66: {  	v24 =	vsel vm3, $0x18C, v24;
	v25 =	vsel vm1, $0x28D, v25;
	v18 =	vsel vm13, $0x101, v18  }
0x67: {  	v19 =	vsel vm8, $0x4006, v19;
	v20 =	vsel vm4, $0x428A, v20;
	v21 =	vsel vm4, $0x430A, v21  }
0x68: {  	s0 =	rddreg [dreg:$0x0];
	s1 =	srdreg.scid;
	v22 =	vsel vm4, $0x438A, v22;
	v23 =	vsel vm4, $0xA, v23;
	v24 =	vsel vm1, $0x20D, v24  }
0x69: {  	s3 =	stileid.u32;
	s2 =	rddreg [dreg:$0x1];
	s12 =	simm.s32 $0x800;
	v25 =	vsel vm0, $0x30E, v25;
	v18 =	vsel vm12, $0x182, v18;
	v19 =	vsel vm7, $0x4087, v19  }
0x6a: {  	s13 =	simm.s32 $0x5;
	s14 =	simm.s32 $0x400;
	s15 =	simm.s32 $0x1000;
	v20 =	vsel vm2, $0x430B, v20;
	v21 =	vsel vm2, $0x438B, v21;
	v18 =	vsel vm11, $0x203, v18  }
0x6b: {  	s16 =	simm.s32 $0x5000;
	s17 =	simm.s32 $0x1;
	s18 =	simm.s32 $0x9000;
	v22 =	vsel vm2, $0xB, v22;
	v23 =	vsel vm2, $0x8B, v23;
	v18 =	vsel vm10, $0x284, v18  }
0x6c: {  	s19 =	simm.s32 $0x6;
	s20 =	simm.s32 $0x2;
	s21 =	simm.s32 $0xC00;
	v24 =	vsel vm0, $0x28E, v24;
	v19 =	vsel vm6, $0x4108, v19;
	v18 =	vsel vm9, $0x305, v18  }
0x6d: {  	s22 =	simm.s32 $0xD000;
	s23 =	simm.s32 $0x4;
	s24 =	simm.s32 $0x11000;
	v20 =	vsel vm3, $0x438C, v20;
	v21 =	vsel vm3, $0xC, v21;
	v18 =	vsel vm8, $0x386, v18  }
0x6e: {  	s25 =	simm.s32 $0x15000;
	s1 =	sand.u32 $0x1, s1;
	s4 =	sshll.u32 s3, $0x1;
	v22 =	vsel vm3, $0x8C, v22;
	v23 =	vsel vm3, $0x10C, v23;
	v18 =	vsel vm7, $0x4007, v18  }
0x6f: {  	s26 =	simm.s32 $0x3;
	s28 =	simm.s32 $0x0;
	s5 =	sor.u32 s1, s4;
	v19 =	vsel vm5, $0x4189, v19;
	v20 =	vsel vm1, $0xD, v20;
	v18 =	vsel vm6, $0x4088, v18  }
0x70: {  	s3 =	simm.s32 $0x0;
	s8 =	sadd.s32 $0x4000, s2;
	s4 =	smul.u32 $0x3200, s5;
	v21 =	vsel vm1, $0x8D, v21;
	v22 =	vsel vm1, $0x10D, v22;
	v18 =	vsel vm5, $0x4109, v18  }
0x71: {  	s9 =	sadd.s32 $0x800, s0;
	s10 =	sadd.s32 $0x900, s0;
	[smem:$0x7FF] =	sst s3;
	v23 =	vsel vm1, $0x18D, v23;
	v19 =	vsel vm4, $0x420A, v19;
	v18 =	vsel vm4, $0x418A, v18  }
0x72: {  	s1 =	ssub.s32 $0x2, s1;
	_ =	strace $0x80000047;
	s6 =	sadd.s32 s4, s0;
	v20 =	vsel vm0, $0x8E, v20;
	v19 =	vsel vm2, $0x428B, v19;
	v18 =	vsel vm2, $0x420B, v18  }
0x73: {  	s7 =	sshrl.u32 s1, $0x1;
	s5 =	smul.u32 $0x32, s5;
	s31 =	sadd.s32 $0x600, s6;
	v21 =	vsel vm0, $0x10E, v21;
	v19 =	vsel vm3, $0x430C, v19;
	v18 =	vsel vm3, $0x428C, v18  }
0x74: {  	s1 =	ssub.s32 s1, s7;
	s6 =	sadd.s32 $0x700, s6;
	[dreg:$0x3] =	wrdreg s31;
	v22 =	vsel vm0, $0x18E, v22;
	v19 =	vsel vm1, $0x438D, v19;
	v18 =	vsel vm1, $0x430D, v18  }
0x75: {  	s4 =	sadd.s32 $0xF42A00, s0;
	s11 =	smax.u32 s1, $0x1;
	[dreg:$0x4] =	wrdreg s6;
	v23 =	vsel vm0, $0x20E, v23;
	v19 =	vsel vm0, $0xE, v19;
	v18 =	vsel vm0, $0x438E, v18  }
.LBB2_1:
0x76: {  	s0 =	rddreg [dreg:$0x3]  }
0x77: {  	[tilespmem:s3], [sflag:$0x5] =	stream.linear.gather [hbm4b:s0+s3], $0x800, $0x38;
	[tilespmem:$0x19000] =	vst v63  }
0x78: {  	s31 =	rddreg [dreg:$0x4]  }
0x79: {  	[tilespmem:s12], [sflag:$0x6] =	stream.linear.gather [hbm4b:s31+s3], $0x800, $0x38;
	[tilespmem:$0x19000] =	vst v63  }
0x7a: {  	_ =	swait.ge [sflag:s13], $0x800  }
0x7b: {  	[sflag:s13] =	ssyncset.done $0x0  }
0x7c: {  	[sflag:s13] =	ssyncadd.s32 $0xFFFFF800  }
0x7d: {  	[tilespmem:s15], [sflag:$0x1] =	stream.indirect.gather [hbm4b:s4+s14], $0x10, s3, s14, $0xb8;
	[tilespmem:$0x19000] =	vst v63  }
0x7e: {  	s29 =	simm.s32 $0x0  }
0x7f: {  	[tilespmem:s16], [sflag:$0x2] =	stream.indirect.gather [hbm4b:s4+s14], $0x10, s14, s14, $0xb8;
	[tilespmem:$0x19000] =	vst v63  }
.LBB2_2:
0x80: {  	_ =	swait.ge [sflag:s17], $0x4000;
	s31 =	simm.s32 $0x0  }
0x81: {  	p0 =	seq.s32 s29, $0x0;
	[sflag:s17] =	ssyncset.done $0x0;
	v33 =	vmov s31  }
0x82: {  	s0 =	simm.s32 @!p0 $0x3;
	[sflag:s17] =	ssyncadd.s32 $0xFFFFC000;
	v33 =	vshll.u32 v33, $0x4  }
0x83: {  	_ =	swait.ge @!p0 [sflag:s0], $0x4000;
	v40 =	vor.u32 v1, v33  }
0x84: {  	[sflag:s0] =	ssyncset.done @!p0 $0x0;
	v33 =	vor.u32 v15, v40  }
0x85: {  	v34 =	vor.u32 v11, v40;
	[sflag:s0] =	ssyncadd.s32 @!p0 $0xFFFFC000  }
0x86: {  	v36 =	vor.u32 v13, v40;
	_ =	swait.ge @!p0 [sflag:s0], $0x4000  }
0x87: {  	v37 =	vor.u32 v9, v40;
	[sflag:s0] =	ssyncset.done @!p0 $0x0  }
0x88: {  	v38 =	vor.u32 v7, v40;
	[sflag:s0] =	ssyncadd.s32 @!p0 $0xFFFFC000  }
0x89: {  	v41 =	vor.u32 v14, v40;
	v33 =	vld.idx.msk [tilespmem:v33+s15+$0x0], $0xffff  }
0x8a: {  	v42 =	vor.u32 v2, v40;
	v35 =	vld.idx.msk [tilespmem:v34+s15+$0x0], $0xffff  }
0x8b: {  	v43 =	vor.u32 v4, v40;
	v34 =	vld.idx.msk [tilespmem:v36+s15+$0x0], $0xffff  }
0x8c: {  	v44 =	vor.u32 v3, v40;
	v37 =	vld.idx.msk [tilespmem:v37+s15+$0x0], $0xffff  }
0x8d: {  	v45 =	vor.u32 v0, v40;
	v39 =	vld.idx.msk [tilespmem:v38+s15+$0x0], $0xffff  }
0x8e: {  	v63 =	vor.u32 v5, v40;
	v36 =	vld.idx.msk [tilespmem:v41+s15+$0x0], $0xffff  }
0x8f: {  	v46 =	vor.u32 v12, v40;
	v42 =	vld.idx.msk [tilespmem:v42+s15+$0x0], $0xffff  }
0x90: {  	v47 =	vor.u32 v6, v40;
	v41 =	vld.idx.msk [tilespmem:v43+s15+$0x0], $0xffff  }
0x91: {  	v50 =	vor.u32 v10, v40;
	v44 =	vld.idx.msk [tilespmem:v44+s15+$0x0], $0xffff  }
0x92: {  	v54 =	vor.u32 v8, v40;
	v48 =	vld.idx.msk [tilespmem:v45+s15+$0x0], $0xffff  }
0x93: {  	s6 =	sand.u32 $0x1C00, s31;
	s1 =	sand.u32 $0x70, s31;
	v43 =	vld.idx.msk [tilespmem:v63+s15+$0x0], $0xffff  }
0x94: {  	s1 =	sor.u32 s1, s6;
	v51 =	vor.u32 v16, v40;
	v38 =	vld.idx.msk [tilespmem:v46+s15+$0x0], $0xffff  }
0x95: {  	v49 =	vor.u32 s1, v17;
	v45 =	vld.idx.msk [tilespmem:v47+s15+$0x0], $0xffff  }
0x96: {  	s7 =	sshll.u32 s29, $0x1;
	v53 =	vor.u32 s1, v18;
	v40 =	vld.idx.msk [tilespmem:v50+s15+$0x0], $0xffff  }
0x97: {  	s30 =	sadd.s32 s5, s7;
	v52 =	vor.u32 s1, v19;
	s0 =	simm.s32 $0x10;
	v47 =	vor.u32 s1, v21;
	v46 =	vld.idx.msk [tilespmem:v54+s15+$0x0], $0xffff;
	v50 =	vor.u32 s1, v20  }
.LBB2_3:
0x98: {  	p1 =	sne.s32 s0, $0x3F0  }
0x99: {  	v51 =	vld.idx.msk [tilespmem:v51+s15+$0x0], $0xffff;
	s31 =	sadd.s32 $0x80, s31;
	s6 =	smov.u32 s0;
	s0 =	sadd.s32 $0x10, s0  }
0x9a: {  	[tilespmem:v49+s18+$0x0] =	vst.idx.msk $0xffff, v48;
	v48 =	vor.u32 s1, v22  }
0x9b: {  	[tilespmem:v53+s18+$0x0] =	vst.idx.msk $0xffff, v42;
	v42 =	vor.u32 s1, v23  }
0x9c: {  	v49 =	vmov s6;
	[tilespmem:v52+s18+$0x0] =	vst.idx.msk $0xffff, v44;
	v44 =	vor.u32 s1, v24  }
0x9d: {  	v49 =	vshll.u32 v49, $0x4;
	[tilespmem:v50+s18+$0x0] =	vst.idx.msk $0xffff, v41;
	v41 =	vor.u32 s1, v25  }
0x9e: {  	v49 =	vor.u32 v1, v49;
	[tilespmem:v47+s18+$0x0] =	vst.idx.msk $0xffff, v43;
	v43 =	vor.u32 s1, v26  }
0x9f: {  	v50 =	vor.u32 v2, v49;
	v47 =	vor.u32 v0, v49;
	[tilespmem:v48+s18+$0x0] =	vst.idx.msk $0xffff, v45;
	v45 =	vor.u32 s1, v27  }
0xa0: {  	v52 =	vor.u32 v5, v49;
	v48 =	vor.u32 v4, v49;
	[tilespmem:v42+s18+$0x0] =	vst.idx.msk $0xffff, v39;
	v39 =	vor.u32 s1, v28  }
0xa1: {  	v54 =	vor.u32 v8, v49;
	v42 =	vor.u32 v7, v49;
	[tilespmem:v44+s18+$0x0] =	vst.idx.msk $0xffff, v46;
	v44 =	vor.u32 s1, v29  }
0xa2: {  	v53 =	vor.u32 v11, v49;
	v46 =	vor.u32 v10, v49;
	[tilespmem:v41+s18+$0x0] =	vst.idx.msk $0xffff, v37;
	v37 =	vor.u32 s1, v30  }
0xa3: {  	v55 =	vor.u32 v3, v49;
	v41 =	vor.u32 v13, v49;
	[tilespmem:v43+s18+$0x0] =	vst.idx.msk $0xffff, v40;
	v40 =	vor.u32 s1, v31  }
0xa4: {  	v56 =	vor.u32 v15, v49;
	v43 =	vor.u32 v14, v49;
	[tilespmem:v45+s18+$0x0] =	vst.idx.msk $0xffff, v35;
	v35 =	vor.u32 s1, v32  }
0xa5: {  	v57 =	vor.u32 v12, v49;
	v45 =	vor.u32 v9, v49;
	[tilespmem:v39+s18+$0x0] =	vst.idx.msk $0xffff, v38  }
0xa6: {  	[tilespmem:v44+s18+$0x0] =	vst.idx.msk $0xffff, v34  }
0xa7: {  	[tilespmem:v37+s18+$0x0] =	vst.idx.msk $0xffff, v36  }
0xa8: {  	[tilespmem:v40+s18+$0x0] =	vst.idx.msk $0xffff, v33  }
0xa9: {  	[tilespmem:v35+s18+$0x0] =	vst.idx.msk $0xffff, v51  }
0xaa: {  	v33 =	vld.idx.msk [tilespmem:v56+s15+$0x0], $0xffff  }
0xab: {  	v35 =	vld.idx.msk [tilespmem:v53+s15+$0x0], $0xffff  }
0xac: {  	v34 =	vld.idx.msk [tilespmem:v41+s15+$0x0], $0xffff  }
0xad: {  	v37 =	vld.idx.msk [tilespmem:v45+s15+$0x0], $0xffff  }
0xae: {  	v39 =	vld.idx.msk [tilespmem:v42+s15+$0x0], $0xffff  }
0xaf: {  	v36 =	vld.idx.msk [tilespmem:v43+s15+$0x0], $0xffff  }
0xb0: {  	v42 =	vld.idx.msk [tilespmem:v50+s15+$0x0], $0xffff  }
0xb1: {  	v40 =	vor.u32 v6, v49;
	v41 =	vld.idx.msk [tilespmem:v48+s15+$0x0], $0xffff  }
0xb2: {  	v44 =	vld.idx.msk [tilespmem:v55+s15+$0x0], $0xffff  }
0xb3: {  	s6 =	sand.u32 $0x70, s6;
	s1 =	sand.u32 $0x1C00, s31;
	v48 =	vld.idx.msk [tilespmem:v47+s15+$0x0], $0xffff  }
.Ltmp0:
0xb4: {  	s1 =	sor.u32 s6, s1;
	v51 =	vor.u32 v16, v49;
	v43 =	vld.idx.msk [tilespmem:v52+s15+$0x0], $0xffff;
	(pc) =	sbr.rel @p1 .LBB2_3-.Ltmp0, $4  }
0xb5: {  	v49 =	vor.u32 s1, v17;
	v47 =	vor.u32 s1, v21;
	v38 =	vld.idx.msk [tilespmem:v57+s15+$0x0], $0xffff  }
0xb6: {  	v53 =	vor.u32 s1, v18;
	v45 =	vld.idx.msk [tilespmem:v40+s15+$0x0], $0xffff  }
0xb7: {  	v52 =	vor.u32 s1, v19;
	v40 =	vld.idx.msk [tilespmem:v46+s15+$0x0], $0xffff  }
0xb8: {  	v50 =	vor.u32 s1, v20;
	v46 =	vld.idx.msk [tilespmem:v54+s15+$0x0], $0xffff  }
0xb9: {  	_ =	sdelay $0x3  }
0xba: {  	v51 =	vld.idx.msk [tilespmem:v51+s15+$0x0], $0xffff;
	[tilespmem:v49+s18+$0x0] =	vst.idx.msk $0xffff, v48;
	v57 =	vor.u32 s1, v22  }
0xbb: {  	v58 =	vor.u32 s1, v23;
	[tilespmem:v53+s18+$0x0] =	vst.idx.msk $0xffff, v42  }
0xbc: {  	v59 =	vor.u32 s1, v24;
	[tilespmem:v52+s18+$0x0] =	vst.idx.msk $0xffff, v44  }
0xbd: {  	v60 =	vor.u32 s1, v25;
	[tilespmem:v50+s18+$0x0] =	vst.idx.msk $0xffff, v41  }
0xbe: {  	v61 =	vor.u32 s1, v26;
	[tilespmem:v47+s18+$0x0] =	vst.idx.msk $0xffff, v43  }
0xbf: {  	v62 =	vor.u32 s1, v27;
	[tilespmem:v57+s18+$0x0] =	vst.idx.msk $0xffff, v45  }
0xc0: {  	v63 =	vor.u32 s1, v28;
	[tilespmem:v58+s18+$0x0] =	vst.idx.msk $0xffff, v39  }
0xc1: {  	[tilespmem:v59+s18+$0x0] =	vst.idx.msk $0xffff, v46;
	v46 =	vor.u32 s1, v29  }
0xc2: {  	v47 =	vor.u32 s1, v30;
	[tilespmem:v60+s18+$0x0] =	vst.idx.msk $0xffff, v37  }
0xc3: {  	v48 =	vor.u32 s1, v31;
	[tilespmem:v61+s18+$0x0] =	vst.idx.msk $0xffff, v40  }
0xc4: {  	v49 =	vor.u32 s1, v32;
	[tilespmem:v62+s18+$0x0] =	vst.idx.msk $0xffff, v35  }
0xc5: {  	[tilespmem:v63+s18+$0x0] =	vst.idx.msk $0xffff, v38  }
0xc6: {  	[tilespmem:v46+s18+$0x0] =	vst.idx.msk $0xffff, v34  }
0xc7: {  	[tilespmem:v47+s18+$0x0] =	vst.idx.msk $0xffff, v36  }
0xc8: {  	s1 =	simm.s32 $0x0;
	[tilespmem:v48+s18+$0x0] =	vst.idx.msk $0xffff, v33  }
0xc9: {  	v50 =	vmov s1;
	[tilespmem:v49+s18+$0x0] =	vst.idx.msk $0xffff, v51  }
0xca: {  	v33 =	vshll.u32 v50, $0x4;
	_ =	swait.ge [sflag:s19], $0x800  }
0xcb: {  	v44 =	vor.u32 v1, v33;
	[sflag:s19] =	ssyncset.done $0x0  }
0xcc: {  	v33 =	vor.u32 v5, v44;
	[sflag:s19] =	ssyncadd.s32 $0xFFFFF800  }
0xcd: {  	v51 =	vor.u32 v13, v44;
	[tilespmem:s15], [sflag:$0x1] =	stream.indirect.gather [hbm4b:s4+s14], $0x10, s12, s14, $0xb8;
	[tilespmem:$0x19000] =	vst v63  }
0xce: {  	v52 =	vor.u32 v14, v44;
	_ =	swait.ge [sflag:s20], $0x4000  }
0xcf: {  	v53 =	vor.u32 v8, v44;
	[sflag:s20] =	ssyncset.done $0x0  }
0xd0: {  	v54 =	vor.u32 v6, v44;
	[sflag:s20] =	ssyncadd.s32 $0xFFFFC000  }
0xd1: {  	v55 =	vor.u32 v2, v44;
	v38 =	vld.idx.msk [tilespmem:v33+s16+$0x0], $0xffff  }
0xd2: {  	v56 =	vor.u32 v7, v44;
	v33 =	vld.idx.msk [tilespmem:v51+s16+$0x0], $0xffff  }
0xd3: {  	v57 =	vor.u32 v12, v44;
	v34 =	vld.idx.msk [tilespmem:v52+s16+$0x0], $0xffff  }
0xd4: {  	v58 =	vor.u32 v10, v44;
	v37 =	vld.idx.msk [tilespmem:v53+s16+$0x0], $0xffff  }
0xd5: {  	v59 =	vor.u32 v0, v44;
	v41 =	vld.idx.msk [tilespmem:v54+s16+$0x0], $0xffff  }
0xd6: {  	v60 =	vor.u32 v11, v44;
	v43 =	vld.idx.msk [tilespmem:v55+s16+$0x0], $0xffff  }
0xd7: {  	v61 =	vor.u32 v15, v44;
	v42 =	vld.idx.msk [tilespmem:v56+s16+$0x0], $0xffff  }
0xd8: {  	v62 =	vor.u32 v3, v44;
	v35 =	vld.idx.msk [tilespmem:v57+s16+$0x0], $0xffff  }
0xd9: {  	v63 =	vor.u32 v4, v44;
	v39 =	vld.idx.msk [tilespmem:v58+s16+$0x0], $0xffff  }
0xda: {  	s0 =	sand.u32 $0x1C00, s1;
	s6 =	sand.u32 $0x70, s1;
	v54 =	vor.u32 v9, v44;
	v47 =	vld.idx.msk [tilespmem:v59+s16+$0x0], $0xffff  }
0xdb: {  	s0 =	sor.u32 s0, s6;
	v40 =	vld.idx.msk [tilespmem:v60+s16+$0x0], $0xffff  }
0xdc: {  	s0 =	sor.u32 $0x2000, s0;
	v45 =	vor.u32 v16, v44;
	v36 =	vld.idx.msk [tilespmem:v61+s16+$0x0], $0xffff  }
0xdd: {  	v50 =	vor.u32 s0, v17;
	v48 =	vld.idx.msk [tilespmem:v62+s16+$0x0], $0xffff  }
0xde: {  	v49 =	vld.idx.msk [tilespmem:v63+s16+$0x0], $0xffff;
	v53 =	vor.u32 s0, v18  }
0xdf: {  	s31 =	simm.s32 $0x10;
	v46 =	vor.u32 s0, v21;
	v52 =	vor.u32 s0, v19;
	v51 =	vor.u32 s0, v20;
	v44 =	vld.idx.msk [tilespmem:v54+s16+$0x0], $0xffff  }
.LBB2_5:
0xe0: {  	p1 =	sne.s32 s31, $0x3F0  }
0xe1: {  	v54 =	vld.idx.msk [tilespmem:v45+s16+$0x0], $0xffff;
	s1 =	sadd.s32 $0x80, s1;
	s6 =	smov.u32 s31;
	s31 =	sadd.s32 $0x10, s31  }
0xe2: {  	v45 =	vor.u32 s0, v22;
	[tilespmem:v50+s18+$0x0] =	vst.idx.msk $0xffff, v47  }
0xe3: {  	[tilespmem:v53+s18+$0x0] =	vst.idx.msk $0xffff, v43;
	v43 =	vor.u32 s0, v23  }
0xe4: {  	v47 =	vmov s6;
	[tilespmem:v52+s18+$0x0] =	vst.idx.msk $0xffff, v48;
	v48 =	vor.u32 s0, v24  }
0xe5: {  	v47 =	vshll.u32 v47, $0x4;
	[tilespmem:v51+s18+$0x0] =	vst.idx.msk $0xffff, v49;
	v49 =	vor.u32 s0, v25  }
0xe6: {  	v47 =	vor.u32 v1, v47;
	[tilespmem:v46+s18+$0x0] =	vst.idx.msk $0xffff, v38;
	v38 =	vor.u32 s0, v26  }
0xe7: {  	v50 =	vor.u32 v2, v47;
	v46 =	vor.u32 v0, v47;
	[tilespmem:v45+s18+$0x0] =	vst.idx.msk $0xffff, v41;
	v41 =	vor.u32 s0, v27  }
0xe8: {  	v51 =	vor.u32 v4, v47;
	v52 =	vor.u32 v5, v47;
	[tilespmem:v43+s18+$0x0] =	vst.idx.msk $0xffff, v42;
	v42 =	vor.u32 s0, v28  }
0xe9: {  	v53 =	vor.u32 v7, v47;
	v43 =	vor.u32 v8, v47;
	[tilespmem:v48+s18+$0x0] =	vst.idx.msk $0xffff, v37;
	v37 =	vor.u32 s0, v29  }
0xea: {  	v55 =	vor.u32 v11, v47;
	v48 =	vor.u32 v10, v47;
	[tilespmem:v49+s18+$0x0] =	vst.idx.msk $0xffff, v44;
	v44 =	vor.u32 s0, v30  }
0xeb: {  	v56 =	vor.u32 v14, v47;
	v49 =	vor.u32 v13, v47;
	[tilespmem:v38+s18+$0x0] =	vst.idx.msk $0xffff, v39;
	v38 =	vor.u32 s0, v31  }
0xec: {  	v57 =	vor.u32 v3, v47;
	v39 =	vor.u32 v6, v47;
	[tilespmem:v41+s18+$0x0] =	vst.idx.msk $0xffff, v40;
	v40 =	vor.u32 s0, v32  }
0xed: {  	v58 =	vor.u32 v9, v47;
	v45 =	vor.u32 v16, v47;
	[tilespmem:v42+s18+$0x0] =	vst.idx.msk $0xffff, v35  }
0xee: {  	v35 =	vor.u32 v12, v47;
	[tilespmem:v37+s18+$0x0] =	vst.idx.msk $0xffff, v33  }
0xef: {  	[tilespmem:v44+s18+$0x0] =	vst.idx.msk $0xffff, v34  }
0xf0: {  	[tilespmem:v38+s18+$0x0] =	vst.idx.msk $0xffff, v36  }
0xf1: {  	[tilespmem:v40+s18+$0x0] =	vst.idx.msk $0xffff, v54  }
0xf2: {  	v36 =	vor.u32 v15, v47;
	v38 =	vld.idx.msk [tilespmem:v52+s16+$0x0], $0xffff  }
0xf3: {  	v33 =	vld.idx.msk [tilespmem:v49+s16+$0x0], $0xffff  }
0xf4: {  	v34 =	vld.idx.msk [tilespmem:v56+s16+$0x0], $0xffff  }
0xf5: {  	v37 =	vld.idx.msk [tilespmem:v43+s16+$0x0], $0xffff  }
0xf6: {  	v41 =	vld.idx.msk [tilespmem:v39+s16+$0x0], $0xffff  }
0xf7: {  	v43 =	vld.idx.msk [tilespmem:v50+s16+$0x0], $0xffff  }
0xf8: {  	v42 =	vld.idx.msk [tilespmem:v53+s16+$0x0], $0xffff  }
0xf9: {  	v35 =	vld.idx.msk [tilespmem:v35+s16+$0x0], $0xffff  }
0xfa: {  	s6 =	sand.u32 $0x70, s6;
	s0 =	sand.u32 $0x1C00, s1;
	v39 =	vld.idx.msk [tilespmem:v48+s16+$0x0], $0xffff  }
0xfb: {  	s0 =	sor.u32 s0, s6;
	v47 =	vld.idx.msk [tilespmem:v46+s16+$0x0], $0xffff  }
.Ltmp1:
0xfc: {  	s0 =	sor.u32 $0x2000, s0;
	v40 =	vld.idx.msk [tilespmem:v55+s16+$0x0], $0xffff;
	(pc) =	sbr.rel @p1 .LBB2_5-.Ltmp1, $4  }
0xfd: {  	v50 =	vor.u32 s0, v17;
	v46 =	vor.u32 s0, v21;
	v36 =	vld.idx.msk [tilespmem:v36+s16+$0x0], $0xffff  }
0xfe: {  	v53 =	vor.u32 s0, v18;
	v48 =	vld.idx.msk [tilespmem:v57+s16+$0x0], $0xffff  }
0xff: {  	v52 =	vor.u32 s0, v19;
	v49 =	vld.idx.msk [tilespmem:v51+s16+$0x0], $0xffff  }
0x100: {  	v51 =	vor.u32 s0, v20;
	v44 =	vld.idx.msk [tilespmem:v58+s16+$0x0], $0xffff  }
0x101: {  	_ =	sdelay $0x3  }
0x102: {  	v45 =	vld.idx.msk [tilespmem:v45+s16+$0x0], $0xffff;
	[tilespmem:v50+s18+$0x0] =	vst.idx.msk $0xffff, v47;
	v63 =	vor.u32 s0, v22  }
0x103: {  	v54 =	vor.u32 s0, v23;
	[tilespmem:v53+s18+$0x0] =	vst.idx.msk $0xffff, v43  }
0x104: {  	v55 =	vor.u32 s0, v24;
	[tilespmem:v52+s18+$0x0] =	vst.idx.msk $0xffff, v48  }
0x105: {  	v56 =	vor.u32 s0, v25;
	[tilespmem:v51+s18+$0x0] =	vst.idx.msk $0xffff, v49  }
0x106: {  	v57 =	vor.u32 s0, v26;
	[tilespmem:v46+s18+$0x0] =	vst.idx.msk $0xffff, v38  }
0x107: {  	v58 =	vor.u32 s0, v27;
	[tilespmem:v63+s18+$0x0] =	vst.idx.msk $0xffff, v41  }
0x108: {  	v59 =	vor.u32 s0, v28;
	[tilespmem:v54+s18+$0x0] =	vst.idx.msk $0xffff, v42  }
0x109: {  	v60 =	vor.u32 s0, v29;
	[tilespmem:v55+s18+$0x0] =	vst.idx.msk $0xffff, v37  }
0x10a: {  	v61 =	vor.u32 s0, v30;
	[tilespmem:v56+s18+$0x0] =	vst.idx.msk $0xffff, v44  }
0x10b: {  	v62 =	vor.u32 s0, v31;
	[tilespmem:v57+s18+$0x0] =	vst.idx.msk $0xffff, v39  }
0x10c: {  	v63 =	vor.u32 s0, v32;
	[tilespmem:v58+s18+$0x0] =	vst.idx.msk $0xffff, v40  }
0x10d: {  	[tilespmem:v59+s18+$0x0] =	vst.idx.msk $0xffff, v35  }
0x10e: {  	[tilespmem:v60+s18+$0x0] =	vst.idx.msk $0xffff, v33  }
0x10f: {  	s6 =	sshll.u32 s30, $0xF;
	s1 =	sshll.u32 s30, $0xE;
	[tilespmem:v61+s18+$0x0] =	vst.idx.msk $0xffff, v34  }
0x110: {  	s1 =	sand.u32 $0x18000, s1;
	s0 =	sand.u32 $0x7FFC0000, s6;
	[tilespmem:v62+s18+$0x0] =	vst.idx.msk $0xffff, v36  }
0x111: {  	p1 =	sne.s32 s29, $0x18;
	s0 =	sor.u32 s1, s0;
	[tilespmem:v63+s18+$0x0] =	vst.idx.msk $0xffff, v45  }
0x112: {  	[tilespmem:s16], [sflag:$0x2] =	stream.indirect.gather [hbm4b:s4+s14], $0x10, s21, s14, $0xb8;
	[tilespmem:$0x19000] =	vst v63  }
.Ltmp2:
0x113: {  	s31 =	sshrl.u32 s0, $0x3;
	(pc) =	sbr.rel @p1 .LBB2_8-.Ltmp2, $4  }
0x114: {  	s0 =	sadd.s32 s2, s31  }
0x115: {  	[hbm4b:s0+s3] =	stream.linear.scatter [tilespmem:s18], [sflag:$0x3], $0x4000, $0x38;
	[tilespmem:$0x19000] =	vst v63  }
0x116: {  	s7 =	sadd.s32 s31, s8  }
0x117: {  	[hbm4b:s7+s3] =	stream.linear.scatter [tilespmem:s22], [sflag:$0x3], $0x4000, $0x38;
	[tilespmem:$0x19000] =	vst v63  }
.Ltmp3:
0x118: {  	(pc) =	sbr.rel .LBB2_9-.Ltmp3, $4  }
0x119: {  	_ = 	snop  }
0x11a: {  	_ =	swait.ge [sflag:s17], $0x4000  }
0x11b: {  	[sflag:s17] =	ssyncset.done $0x0  }
0x11c: {  	[sflag:s17] =	ssyncadd.s32 $0xFFFFC000  }
.LBB2_8:
0x11d: {  	s0 =	sshll.u32 s30, $0x8  }
.Ltmp4:
0x11e: {  	s0 =	sadd.s32 s0, s9;
	(pc) =	sbr.rel @p0 .LBB2_10-.Ltmp4, $4  }
0x11f: {  	[tilespmem:s3], [sflag:$0x5] =	stream.linear.gather [hbm4b:s0+s3], $0x800, $0x38;
	[tilespmem:$0x19000] =	vst v63  }
0x120: {  	_ =	swait.ge [sflag:s17], $0x4000  }
0x121: {  	[sflag:s17] =	ssyncset.done $0x0  }
0x122: {  	[sflag:s17] =	ssyncadd.s32 $0xFFFFC000  }
.LBB2_9:
0x123: {  	_ =	swait.ge [sflag:s23], $0x4000  }
0x124: {  	[sflag:s23] =	ssyncset.done $0x0  }
0x125: {  	[sflag:s23] =	ssyncadd.s32 $0xFFFFC000  }
0x126: {  	_ =	swait.ge [sflag:s23], $0x4000  }
0x127: {  	[sflag:s23] =	ssyncset.done $0x0  }
0x128: {  	[sflag:s23] =	ssyncadd.s32 $0xFFFFC000  }
.LBB2_10:
0x129: {  	s1 =	simm.s32 $0x0  }
0x12a: {  	v33 =	vmov s1  }
0x12b: {  	v33 =	vshll.u32 v33, $0x4  }
0x12c: {  	v40 =	vor.u32 v1, v33  }
0x12d: {  	v33 =	vor.u32 v15, v40  }
0x12e: {  	v34 =	vor.u32 v11, v40  }
0x12f: {  	v36 =	vor.u32 v13, v40  }
0x130: {  	v37 =	vor.u32 v9, v40  }
0x131: {  	v38 =	vor.u32 v7, v40  }
0x132: {  	v41 =	vor.u32 v14, v40;
	v33 =	vld.idx.msk [tilespmem:v33+s15+$0x0], $0xffff  }
0x133: {  	v42 =	vor.u32 v2, v40;
	v35 =	vld.idx.msk [tilespmem:v34+s15+$0x0], $0xffff  }
0x134: {  	v43 =	vor.u32 v4, v40;
	v34 =	vld.idx.msk [tilespmem:v36+s15+$0x0], $0xffff  }
0x135: {  	v44 =	vor.u32 v3, v40;
	v37 =	vld.idx.msk [tilespmem:v37+s15+$0x0], $0xffff  }
0x136: {  	v45 =	vor.u32 v0, v40;
	v39 =	vld.idx.msk [tilespmem:v38+s15+$0x0], $0xffff  }
0x137: {  	v63 =	vor.u32 v5, v40;
	v36 =	vld.idx.msk [tilespmem:v41+s15+$0x0], $0xffff  }
0x138: {  	v46 =	vor.u32 v12, v40;
	v42 =	vld.idx.msk [tilespmem:v42+s15+$0x0], $0xffff  }
0x139: {  	v47 =	vor.u32 v6, v40;
	v41 =	vld.idx.msk [tilespmem:v43+s15+$0x0], $0xffff  }
0x13a: {  	v50 =	vor.u32 v10, v40;
	v44 =	vld.idx.msk [tilespmem:v44+s15+$0x0], $0xffff  }
0x13b: {  	v54 =	vor.u32 v8, v40;
	v48 =	vld.idx.msk [tilespmem:v45+s15+$0x0], $0xffff  }
0x13c: {  	s0 =	sand.u32 $0x1C00, s1;
	s6 =	sand.u32 $0x70, s1;
	v43 =	vld.idx.msk [tilespmem:v63+s15+$0x0], $0xffff  }
0x13d: {  	s6 =	sor.u32 s6, s0;
	v52 =	vor.u32 v16, v40;
	v38 =	vld.idx.msk [tilespmem:v46+s15+$0x0], $0xffff  }
0x13e: {  	v49 =	vor.u32 s6, v17;
	v45 =	vld.idx.msk [tilespmem:v47+s15+$0x0], $0xffff  }
0x13f: {  	v53 =	vor.u32 s6, v18;
	v40 =	vld.idx.msk [tilespmem:v50+s15+$0x0], $0xffff  }
0x140: {  	s0 =	simm.s32 $0x10;
	v51 =	vor.u32 s6, v19;
	v47 =	vor.u32 s6, v21;
	v46 =	vld.idx.msk [tilespmem:v54+s15+$0x0], $0xffff;
	v50 =	vor.u32 s6, v20  }
.LBB2_11:
0x141: {  	p0 =	sne.s32 s0, $0x3F0  }
0x142: {  	v52 =	vld.idx.msk [tilespmem:v52+s15+$0x0], $0xffff;
	s1 =	sadd.s32 $0x80, s1;
	s7 =	smov.u32 s0;
	s0 =	sadd.s32 $0x10, s0  }
0x143: {  	[tilespmem:v49+s24+$0x0] =	vst.idx.msk $0xffff, v48;
	v48 =	vor.u32 s6, v22  }
0x144: {  	[tilespmem:v53+s24+$0x0] =	vst.idx.msk $0xffff, v42;
	v42 =	vor.u32 s6, v23  }
0x145: {  	v49 =	vmov s7;
	[tilespmem:v51+s24+$0x0] =	vst.idx.msk $0xffff, v44;
	v44 =	vor.u32 s6, v24  }
0x146: {  	v49 =	vshll.u32 v49, $0x4;
	[tilespmem:v50+s24+$0x0] =	vst.idx.msk $0xffff, v41;
	v41 =	vor.u32 s6, v25  }
0x147: {  	v49 =	vor.u32 v1, v49;
	[tilespmem:v47+s24+$0x0] =	vst.idx.msk $0xffff, v43;
	v43 =	vor.u32 s6, v26  }
0x148: {  	v50 =	vor.u32 v2, v49;
	v47 =	vor.u32 v0, v49;
	[tilespmem:v48+s24+$0x0] =	vst.idx.msk $0xffff, v45;
	v45 =	vor.u32 s6, v27  }
0x149: {  	v51 =	vor.u32 v5, v49;
	v48 =	vor.u32 v4, v49;
	[tilespmem:v42+s24+$0x0] =	vst.idx.msk $0xffff, v39;
	v39 =	vor.u32 s6, v28  }
0x14a: {  	v54 =	vor.u32 v8, v49;
	v42 =	vor.u32 v7, v49;
	[tilespmem:v44+s24+$0x0] =	vst.idx.msk $0xffff, v46;
	v44 =	vor.u32 s6, v29  }
0x14b: {  	v53 =	vor.u32 v11, v49;
	v46 =	vor.u32 v10, v49;
	[tilespmem:v41+s24+$0x0] =	vst.idx.msk $0xffff, v37;
	v37 =	vor.u32 s6, v30  }
0x14c: {  	v55 =	vor.u32 v3, v49;
	v41 =	vor.u32 v13, v49;
	[tilespmem:v43+s24+$0x0] =	vst.idx.msk $0xffff, v40;
	v40 =	vor.u32 s6, v31  }
0x14d: {  	v56 =	vor.u32 v15, v49;
	v43 =	vor.u32 v14, v49;
	[tilespmem:v45+s24+$0x0] =	vst.idx.msk $0xffff, v35;
	v35 =	vor.u32 s6, v32  }
0x14e: {  	v57 =	vor.u32 v12, v49;
	v45 =	vor.u32 v9, v49;
	[tilespmem:v39+s24+$0x0] =	vst.idx.msk $0xffff, v38  }
0x14f: {  	[tilespmem:v44+s24+$0x0] =	vst.idx.msk $0xffff, v34  }
0x150: {  	[tilespmem:v37+s24+$0x0] =	vst.idx.msk $0xffff, v36  }
0x151: {  	[tilespmem:v40+s24+$0x0] =	vst.idx.msk $0xffff, v33  }
0x152: {  	[tilespmem:v35+s24+$0x0] =	vst.idx.msk $0xffff, v52  }
0x153: {  	v33 =	vld.idx.msk [tilespmem:v56+s15+$0x0], $0xffff  }
0x154: {  	v35 =	vld.idx.msk [tilespmem:v53+s15+$0x0], $0xffff  }
0x155: {  	v34 =	vld.idx.msk [tilespmem:v41+s15+$0x0], $0xffff  }
0x156: {  	v37 =	vld.idx.msk [tilespmem:v45+s15+$0x0], $0xffff  }
0x157: {  	v39 =	vld.idx.msk [tilespmem:v42+s15+$0x0], $0xffff  }
0x158: {  	v36 =	vld.idx.msk [tilespmem:v43+s15+$0x0], $0xffff  }
0x159: {  	v42 =	vld.idx.msk [tilespmem:v50+s15+$0x0], $0xffff  }
0x15a: {  	v40 =	vor.u32 v6, v49;
	v41 =	vld.idx.msk [tilespmem:v48+s15+$0x0], $0xffff  }
0x15b: {  	v44 =	vld.idx.msk [tilespmem:v55+s15+$0x0], $0xffff  }
0x15c: {  	s7 =	sand.u32 $0x70, s7;
	s6 =	sand.u32 $0x1C00, s1;
	v48 =	vld.idx.msk [tilespmem:v47+s15+$0x0], $0xffff  }
.Ltmp5:
0x15d: {  	s6 =	sor.u32 s7, s6;
	v52 =	vor.u32 v16, v49;
	v43 =	vld.idx.msk [tilespmem:v51+s15+$0x0], $0xffff;
	(pc) =	sbr.rel @p0 .LBB2_11-.Ltmp5, $4  }
0x15e: {  	v49 =	vor.u32 s6, v17;
	v47 =	vor.u32 s6, v21;
	v38 =	vld.idx.msk [tilespmem:v57+s15+$0x0], $0xffff  }
0x15f: {  	v53 =	vor.u32 s6, v18;
	v45 =	vld.idx.msk [tilespmem:v40+s15+$0x0], $0xffff  }
0x160: {  	v51 =	vor.u32 s6, v19;
	v40 =	vld.idx.msk [tilespmem:v46+s15+$0x0], $0xffff  }
0x161: {  	v50 =	vor.u32 s6, v20;
	v46 =	vld.idx.msk [tilespmem:v54+s15+$0x0], $0xffff  }
0x162: {  	_ =	sdelay $0x3  }
0x163: {  	v52 =	vld.idx.msk [tilespmem:v52+s15+$0x0], $0xffff;
	[tilespmem:v49+s24+$0x0] =	vst.idx.msk $0xffff, v48;
	v57 =	vor.u32 s6, v22  }
0x164: {  	v58 =	vor.u32 s6, v23;
	[tilespmem:v53+s24+$0x0] =	vst.idx.msk $0xffff, v42  }
0x165: {  	v59 =	vor.u32 s6, v24;
	[tilespmem:v51+s24+$0x0] =	vst.idx.msk $0xffff, v44  }
0x166: {  	v60 =	vor.u32 s6, v25;
	[tilespmem:v50+s24+$0x0] =	vst.idx.msk $0xffff, v41  }
0x167: {  	v61 =	vor.u32 s6, v26;
	[tilespmem:v47+s24+$0x0] =	vst.idx.msk $0xffff, v43  }
0x168: {  	v62 =	vor.u32 s6, v27;
	[tilespmem:v57+s24+$0x0] =	vst.idx.msk $0xffff, v45  }
0x169: {  	v63 =	vor.u32 s6, v28;
	[tilespmem:v58+s24+$0x0] =	vst.idx.msk $0xffff, v39  }
0x16a: {  	[tilespmem:v59+s24+$0x0] =	vst.idx.msk $0xffff, v46;
	v46 =	vor.u32 s6, v29  }
0x16b: {  	v47 =	vor.u32 s6, v30;
	[tilespmem:v60+s24+$0x0] =	vst.idx.msk $0xffff, v37  }
0x16c: {  	v48 =	vor.u32 s6, v31;
	[tilespmem:v61+s24+$0x0] =	vst.idx.msk $0xffff, v40  }
0x16d: {  	v49 =	vor.u32 s6, v32;
	[tilespmem:v62+s24+$0x0] =	vst.idx.msk $0xffff, v35  }
0x16e: {  	[tilespmem:v63+s24+$0x0] =	vst.idx.msk $0xffff, v38  }
0x16f: {  	[tilespmem:v46+s24+$0x0] =	vst.idx.msk $0xffff, v34  }
0x170: {  	[tilespmem:v47+s24+$0x0] =	vst.idx.msk $0xffff, v36  }
0x171: {  	p0 =	seq.s32 s29, $0x18;
	s1 =	simm.s32 $0x0;
	[tilespmem:v48+s24+$0x0] =	vst.idx.msk $0xffff, v33  }
0x172: {  	s0 =	simm.s32 @!p0 $0x5;
	v50 =	vmov s1;
	[tilespmem:v49+s24+$0x0] =	vst.idx.msk $0xffff, v52  }
0x173: {  	v33 =	vshll.u32 v50, $0x4;
	_ =	swait.ge @!p0 [sflag:s0], $0x800  }
0x174: {  	s7 =	simm.s32 @!p0 $0x1000;
	v44 =	vor.u32 v1, v33;
	[sflag:s0] =	ssyncset.done @!p0 $0x0  }
0x175: {  	s6 =	simm.s32 @!p0 $0x0;
	v33 =	vor.u32 v5, v44;
	[sflag:s0] =	ssyncadd.s32 @!p0 $0xFFFFF800;
	s0 =	simm.s32 @!p0 $0x400  }
0x176: {  	v51 =	vor.u32 v13, v44;
	[tilespmem:s7], [sflag:$0x1] =	stream.indirect.gather @!p0 [hbm4b:s4+s0], $0x10, s6, s0, $0xb8;
	[tilespmem:$0x19000] =	vst v63  }
0x177: {  	v52 =	vor.u32 v14, v44;
	_ =	swait.ge [sflag:s20], $0x4000  }
0x178: {  	v53 =	vor.u32 v8, v44;
	[sflag:s20] =	ssyncset.done $0x0  }
0x179: {  	v54 =	vor.u32 v6, v44;
	[sflag:s20] =	ssyncadd.s32 $0xFFFFC000  }
0x17a: {  	v55 =	vor.u32 v2, v44;
	v38 =	vld.idx.msk [tilespmem:v33+s16+$0x0], $0xffff  }
0x17b: {  	v56 =	vor.u32 v7, v44;
	v33 =	vld.idx.msk [tilespmem:v51+s16+$0x0], $0xffff  }
0x17c: {  	v57 =	vor.u32 v12, v44;
	v34 =	vld.idx.msk [tilespmem:v52+s16+$0x0], $0xffff  }
0x17d: {  	v58 =	vor.u32 v10, v44;
	v37 =	vld.idx.msk [tilespmem:v53+s16+$0x0], $0xffff  }
0x17e: {  	v59 =	vor.u32 v0, v44;
	v41 =	vld.idx.msk [tilespmem:v54+s16+$0x0], $0xffff  }
0x17f: {  	v60 =	vor.u32 v11, v44;
	v43 =	vld.idx.msk [tilespmem:v55+s16+$0x0], $0xffff  }
0x180: {  	v61 =	vor.u32 v15, v44;
	v42 =	vld.idx.msk [tilespmem:v56+s16+$0x0], $0xffff  }
0x181: {  	v62 =	vor.u32 v3, v44;
	v35 =	vld.idx.msk [tilespmem:v57+s16+$0x0], $0xffff  }
0x182: {  	v63 =	vor.u32 v4, v44;
	v39 =	vld.idx.msk [tilespmem:v58+s16+$0x0], $0xffff  }
0x183: {  	s6 =	sand.u32 $0x1C00, s1;
	s7 =	sand.u32 $0x70, s1;
	v54 =	vor.u32 v9, v44;
	v47 =	vld.idx.msk [tilespmem:v59+s16+$0x0], $0xffff  }
0x184: {  	s0 =	sor.u32 s6, s7;
	v40 =	vld.idx.msk [tilespmem:v60+s16+$0x0], $0xffff  }
0x185: {  	v45 =	vor.u32 v16, v44;
	s6 =	sor.u32 $0x2000, s0;
	v36 =	vld.idx.msk [tilespmem:v61+s16+$0x0], $0xffff  }
0x186: {  	v50 =	vor.u32 s6, v17;
	v48 =	vld.idx.msk [tilespmem:v62+s16+$0x0], $0xffff  }
0x187: {  	v49 =	vld.idx.msk [tilespmem:v63+s16+$0x0], $0xffff;
	v53 =	vor.u32 s6, v18  }
0x188: {  	s0 =	simm.s32 $0x10;
	v46 =	vor.u32 s6, v21;
	v52 =	vor.u32 s6, v19;
	v51 =	vor.u32 s6, v20;
	v44 =	vld.idx.msk [tilespmem:v54+s16+$0x0], $0xffff  }
.LBB2_13:
0x189: {  	p1 =	sne.s32 s0, $0x3F0  }
0x18a: {  	v54 =	vld.idx.msk [tilespmem:v45+s16+$0x0], $0xffff;
	s1 =	sadd.s32 $0x80, s1;
	s7 =	smov.u32 s0;
	s0 =	sadd.s32 $0x10, s0  }
0x18b: {  	v45 =	vor.u32 s6, v22;
	[tilespmem:v50+s24+$0x0] =	vst.idx.msk $0xffff, v47  }
0x18c: {  	[tilespmem:v53+s24+$0x0] =	vst.idx.msk $0xffff, v43;
	v43 =	vor.u32 s6, v23  }
0x18d: {  	v47 =	vmov s7;
	[tilespmem:v52+s24+$0x0] =	vst.idx.msk $0xffff, v48;
	v48 =	vor.u32 s6, v24  }
0x18e: {  	v47 =	vshll.u32 v47, $0x4;
	[tilespmem:v51+s24+$0x0] =	vst.idx.msk $0xffff, v49;
	v49 =	vor.u32 s6, v25  }
0x18f: {  	v47 =	vor.u32 v1, v47;
	[tilespmem:v46+s24+$0x0] =	vst.idx.msk $0xffff, v38;
	v38 =	vor.u32 s6, v26  }
0x190: {  	v50 =	vor.u32 v2, v47;
	v46 =	vor.u32 v0, v47;
	[tilespmem:v45+s24+$0x0] =	vst.idx.msk $0xffff, v41;
	v41 =	vor.u32 s6, v27  }
0x191: {  	v51 =	vor.u32 v4, v47;
	v52 =	vor.u32 v5, v47;
	[tilespmem:v43+s24+$0x0] =	vst.idx.msk $0xffff, v42;
	v42 =	vor.u32 s6, v28  }
0x192: {  	v53 =	vor.u32 v7, v47;
	v43 =	vor.u32 v8, v47;
	[tilespmem:v48+s24+$0x0] =	vst.idx.msk $0xffff, v37;
	v37 =	vor.u32 s6, v29  }
0x193: {  	v55 =	vor.u32 v11, v47;
	v48 =	vor.u32 v10, v47;
	[tilespmem:v49+s24+$0x0] =	vst.idx.msk $0xffff, v44;
	v44 =	vor.u32 s6, v30  }
0x194: {  	v56 =	vor.u32 v14, v47;
	v49 =	vor.u32 v13, v47;
	[tilespmem:v38+s24+$0x0] =	vst.idx.msk $0xffff, v39;
	v38 =	vor.u32 s6, v31  }
0x195: {  	v57 =	vor.u32 v3, v47;
	v39 =	vor.u32 v6, v47;
	[tilespmem:v41+s24+$0x0] =	vst.idx.msk $0xffff, v40;
	v40 =	vor.u32 s6, v32  }
0x196: {  	v58 =	vor.u32 v9, v47;
	v45 =	vor.u32 v16, v47;
	[tilespmem:v42+s24+$0x0] =	vst.idx.msk $0xffff, v35  }
0x197: {  	v35 =	vor.u32 v12, v47;
	[tilespmem:v37+s24+$0x0] =	vst.idx.msk $0xffff, v33  }
0x198: {  	[tilespmem:v44+s24+$0x0] =	vst.idx.msk $0xffff, v34  }
0x199: {  	[tilespmem:v38+s24+$0x0] =	vst.idx.msk $0xffff, v36  }
0x19a: {  	[tilespmem:v40+s24+$0x0] =	vst.idx.msk $0xffff, v54  }
0x19b: {  	v36 =	vor.u32 v15, v47;
	v38 =	vld.idx.msk [tilespmem:v52+s16+$0x0], $0xffff  }
0x19c: {  	v33 =	vld.idx.msk [tilespmem:v49+s16+$0x0], $0xffff  }
0x19d: {  	v34 =	vld.idx.msk [tilespmem:v56+s16+$0x0], $0xffff  }
0x19e: {  	v37 =	vld.idx.msk [tilespmem:v43+s16+$0x0], $0xffff  }
0x19f: {  	v41 =	vld.idx.msk [tilespmem:v39+s16+$0x0], $0xffff  }
0x1a0: {  	v43 =	vld.idx.msk [tilespmem:v50+s16+$0x0], $0xffff  }
0x1a1: {  	v42 =	vld.idx.msk [tilespmem:v53+s16+$0x0], $0xffff  }
0x1a2: {  	v35 =	vld.idx.msk [tilespmem:v35+s16+$0x0], $0xffff  }
0x1a3: {  	s7 =	sand.u32 $0x70, s7;
	s6 =	sand.u32 $0x1C00, s1;
	v39 =	vld.idx.msk [tilespmem:v48+s16+$0x0], $0xffff  }
0x1a4: {  	s6 =	sor.u32 s6, s7;
	v47 =	vld.idx.msk [tilespmem:v46+s16+$0x0], $0xffff  }
.Ltmp6:
0x1a5: {  	s6 =	sor.u32 $0x2000, s6;
	v40 =	vld.idx.msk [tilespmem:v55+s16+$0x0], $0xffff;
	(pc) =	sbr.rel @p1 .LBB2_13-.Ltmp6, $4  }
0x1a6: {  	v50 =	vor.u32 s6, v17;
	v46 =	vor.u32 s6, v21;
	v36 =	vld.idx.msk [tilespmem:v36+s16+$0x0], $0xffff  }
0x1a7: {  	v53 =	vor.u32 s6, v18;
	v48 =	vld.idx.msk [tilespmem:v57+s16+$0x0], $0xffff  }
0x1a8: {  	v52 =	vor.u32 s6, v19;
	v49 =	vld.idx.msk [tilespmem:v51+s16+$0x0], $0xffff  }
0x1a9: {  	v51 =	vor.u32 s6, v20;
	v44 =	vld.idx.msk [tilespmem:v58+s16+$0x0], $0xffff  }
0x1aa: {  	_ =	sdelay $0x3  }
0x1ab: {  	v45 =	vld.idx.msk [tilespmem:v45+s16+$0x0], $0xffff;
	[tilespmem:v50+s24+$0x0] =	vst.idx.msk $0xffff, v47;
	v63 =	vor.u32 s6, v22  }
0x1ac: {  	v54 =	vor.u32 s6, v23;
	[tilespmem:v53+s24+$0x0] =	vst.idx.msk $0xffff, v43  }
0x1ad: {  	v55 =	vor.u32 s6, v24;
	[tilespmem:v52+s24+$0x0] =	vst.idx.msk $0xffff, v48  }
0x1ae: {  	v56 =	vor.u32 s6, v25;
	[tilespmem:v51+s24+$0x0] =	vst.idx.msk $0xffff, v49  }
0x1af: {  	v57 =	vor.u32 s6, v26;
	[tilespmem:v46+s24+$0x0] =	vst.idx.msk $0xffff, v38  }
0x1b0: {  	v58 =	vor.u32 s6, v27;
	[tilespmem:v63+s24+$0x0] =	vst.idx.msk $0xffff, v41  }
0x1b1: {  	v59 =	vor.u32 s6, v28;
	[tilespmem:v54+s24+$0x0] =	vst.idx.msk $0xffff, v42  }
0x1b2: {  	v60 =	vor.u32 s6, v29;
	[tilespmem:v55+s24+$0x0] =	vst.idx.msk $0xffff, v37  }
0x1b3: {  	v61 =	vor.u32 s6, v30;
	[tilespmem:v56+s24+$0x0] =	vst.idx.msk $0xffff, v44  }
0x1b4: {  	v62 =	vor.u32 s6, v31;
	[tilespmem:v57+s24+$0x0] =	vst.idx.msk $0xffff, v39  }
0x1b5: {  	v63 =	vor.u32 s6, v32;
	[tilespmem:v58+s24+$0x0] =	vst.idx.msk $0xffff, v40  }
0x1b6: {  	[tilespmem:v59+s24+$0x0] =	vst.idx.msk $0xffff, v35  }
0x1b7: {  	[tilespmem:v60+s24+$0x0] =	vst.idx.msk $0xffff, v33  }
0x1b8: {  	[tilespmem:v61+s24+$0x0] =	vst.idx.msk $0xffff, v34  }
0x1b9: {  	[tilespmem:v62+s24+$0x0] =	vst.idx.msk $0xffff, v36  }
0x1ba: {  	s0 =	simm.s32 @!p0 $0x400;
	s1 =	simm.s32 @!p0 $0x5000;
	[tilespmem:v63+s24+$0x0] =	vst.idx.msk $0xffff, v45  }
0x1bb: {  	[tilespmem:s1], [sflag:$0x2] =	stream.indirect.gather @!p0 [hbm4b:s4+s0], $0x10, s0, s0, $0xb8;
	[tilespmem:$0x19000] =	vst v63  }
0x1bc: {  	s29 =	sadd.s32 $0x1, s29;
	s0 =	sshll.u32 @!p0 s30, $0x8  }
0x1bd: {  	s6 =	simm.s32 @!p0 $0x800;
	s1 =	simm.s32 @!p0 $0x0;
	s0 =	sadd.s32 @!p0 s0, s10  }
0x1be: {  	[tilespmem:s6], [sflag:$0x6] =	stream.linear.gather @!p0 [hbm4b:s0+s1], $0x800, $0x38;
	[tilespmem:$0x19000] =	vst v63  }
0x1bf: {  	p0 =	sne.s32 s29, $0x19  }
.Ltmp7:
0x1c0: {  	s30 =	sor.u32 $0x800, s31;
	(pc) =	sbr.rel @p0 .LBB2_2-.Ltmp7, $4  }
0x1c1: {  	s31 =	sadd.s32 s2, s30  }
0x1c2: {  	[hbm4b:s31+s3] =	stream.linear.scatter [tilespmem:s24], [sflag:$0x4], $0x4000, $0x38;
	[tilespmem:$0x19000] =	vst v63  }
0x1c3: {  	s0 =	sadd.s32 s30, s8  }
0x1c4: {  	[hbm4b:s0+s3] =	stream.linear.scatter [tilespmem:s25], [sflag:$0x4], $0x4000, $0x38;
	[tilespmem:$0x19000] =	vst v63  }
0x1c5: {  	_ =	swait.ge [sflag:s26], $0x4000  }
0x1c6: {  	[sflag:s26] =	ssyncset.done $0x0  }
0x1c7: {  	[sflag:s26] =	ssyncadd.s32 $0xFFFFC000  }
0x1c8: {  	_ =	swait.ge [sflag:s26], $0x4000  }
0x1c9: {  	[sflag:s26] =	ssyncset.done $0x0  }
0x1ca: {  	s28 =	sadd.s32 $0x1, s28;
	[sflag:s26] =	ssyncadd.s32 $0xFFFFC000  }
0x1cb: {  	p0 =	sne.s32 s28, s11;
	_ =	swait.ge [sflag:s23], $0x4000  }
.Ltmp8:
0x1cc: {  	[sflag:s23] =	ssyncset.done $0x0;
	(pc) =	sbr.rel @p0 .LBB2_1-.Ltmp8, $4  }
0x1cd: {  	[sflag:s23] =	ssyncadd.s32 $0xFFFFC000  }
0x1ce: {  	_ =	swait.ge [sflag:s23], $0x4000  }
0x1cf: {  	[sflag:s23] =	ssyncset.done $0x0  }
0x1d0: {  	[sflag:s23] =	ssyncadd.s32 $0xFFFFC000  }
0x1d1: {  	_ =	sfence.sel $0x180000  }
0x1d2: {  	[bflag:$0x0] =	sbarrier.arrive $0xFFFF  }
0x1d3: {  	_ =	strace $0x90000047  }
0x1d4: {  	s0 =	stileid.u32;
	[bflag:$0x2] =	sbarrier.arrive $0xFFFF  }
0x1d5: {  	p0 =	sne.s32 s0, $0x0;
	s0 =	rddreg [dreg:$0x2]  }
0x1d6: {  	s0 =	sadd.s32 @!p0 $0x100000, s0  }
0x1d7: {  	[sflag:s0] =	ssyncadd.tile.s32 @!p0 $0x1;
	_ =	shalt  }
.Lfunc_end2:
_tile_overlayer_lowered:
.L_overlay_start_2:
0x1d8: {  	(tag) =	ssettag $0x2  }
0x1d9: {  	s0 =	rddreg [dreg:$0x0];
	s2 =	stileid.u32  }
0x1da: {  	s1 =	rddreg [dreg:$0x1];
	p0 =	sne.s32 s2, $0x0  }
0x1db: {  	s3 =	rddreg [dreg:$0x2];
	[bflag:$0x3] =	sbarrier.arrive $0xFFFF;
	s2 =	simm.s32 @!p0 $0x1C07  }
0x1dc: {  	[timem:s3], [sflag:s2] =	dma.local @!p0 [hbm:s0], s1  }
0x1dd: {  	s0 =	simm.s32 @!p0 $0x7  }
0x1de: {  	_ =	swait.ge @!p0 [sflag:s0], s1  }
0x1df: {  	s1 =	ssub.s32 @!p0 $0x0, s1;
	[sflag:s0] =	ssyncset.done @!p0 $0x0  }
0x1e0: {  	[sflag:s0] =	ssyncadd.s32 @!p0 s1  }
0x1e1: {  	[bflag:$0x3] =	sbarrier.arrive $0xFFFF  }
0x1e2: {  	_ =	shalt  }

</sc_bundles>
